<compile_context>
chip_gen: v7x
topology: tpu7x:2x2x1
jax: 0.10.2.dev20260603
libtpu: 0.0.44.dev20260713+nightly
codegen_flags: <defaults>
</compile_context>

<pallas_src>
import functools

import jax
import jax.numpy as jnp
from jax import lax
from jax.experimental import pallas as pl
from jax.experimental.pallas import tpu as pltpu
from jax.experimental.pallas import tpu_sc as plsc

_EPS = 1e-12
_BETA = 0.25


def _cbnorm_body(cb_ref, en_ref, c_ref):
    cb = cb_ref[...]
    n = jnp.sqrt(jnp.sum(cb * cb, axis=1, keepdims=True))
    en = cb / jnp.maximum(n, _EPS)
    en_ref[...] = en
    c_ref[...] = jnp.sum(en * en, axis=1, keepdims=True).reshape(1, -1)


def _normalize_codebook(codebook, block):
    n_e, e_dim = codebook.shape
    grid = (n_e // block,)
    return pl.pallas_call(
        _cbnorm_body,
        grid=grid,
        in_specs=[pl.BlockSpec((block, e_dim), lambda j: (j, 0))],
        out_specs=[
            pl.BlockSpec((block, e_dim), lambda j: (j, 0)),
            pl.BlockSpec((1, block), lambda j: (0, j)),
        ],
        out_shape=[
            jax.ShapeDtypeStruct((n_e, e_dim), jnp.float32),
            jax.ShapeDtypeStruct((1, n_e), jnp.float32),
        ],
    )(codebook)


def _argmin_body(n_e, n_win, zf_ref, ent_ref, c_ref, idx_ref):
    z = zf_ref[...]
    n = jnp.sqrt(jnp.sum(z * z, axis=1, keepdims=True))
    zn = z / jnp.maximum(n, _EPS)
    a = jnp.sum(zn * zn, axis=1, keepdims=True)
    s = lax.dot_general(zn, ent_ref[...], (((1,), (0,)), ((), ())),
                        preferred_element_type=jnp.float32)
    d = (a + c_ref[...]) - 2.0 * s
    w_size = n_e // n_win
    best_i = None
    best_v = None
    for w in range(n_win):
        dw = d[:, w * w_size:(w + 1) * w_size]
        lmin = jnp.min(dw, axis=1, keepdims=True)
        col = lax.broadcasted_iota(jnp.int32, dw.shape, 1)
        larg = jnp.min(jnp.where(dw == lmin, col, w_size), axis=1,
                       keepdims=True) + w * w_size
        if w == 0:
            best_i = larg
            best_v = lmin.astype(jnp.bfloat16)
        else:
            upd = lmin < best_v.astype(jnp.float32)
            best_i = jnp.where(upd, larg, best_i)
            best_v = jnp.where(upd, lmin, best_v.astype(jnp.float32)
                               ).astype(jnp.bfloat16)
    idx_ref[...] = best_i


def _argmin_indices(z_flat, emb_n_t, c, br):
    b, e_dim = z_flat.shape
    n_e = emb_n_t.shape[1]
    grid = (b // br,)
    return pl.pallas_call(
        functools.partial(_argmin_body, n_e, 2),
        grid=grid,
        in_specs=[
            pl.BlockSpec((br, e_dim), lambda i: (i, 0)),
            pl.BlockSpec((e_dim, n_e), lambda i: (0, 0)),
            pl.BlockSpec((1, n_e), lambda i: (0, 0)),
        ],
        out_specs=pl.BlockSpec((br, 1), lambda i: (i, 0)),
        out_shape=jax.ShapeDtypeStruct((b, 1), jnp.int32),
        compiler_params=pltpu.CompilerParams(
            dimension_semantics=("arbitrary",),
            vmem_limit_bytes=100663296),
    )(z_flat, emb_n_t, c)


def _sc_gather_counts(codebook, idx2d, n_e, b):
    mesh = plsc.VectorSubcoreMesh(core_axis_name="c", subcore_axis_name="s")
    e_dim = codebook.shape[1]
    n_chunks = b // (32 * 128)
    bins_per_sub = n_e // 16

    @functools.partial(
        pl.kernel,
        out_type=[
            jax.ShapeDtypeStruct((b, e_dim), jnp.float32),
            jax.ShapeDtypeStruct((2, n_e), jnp.float32),
        ],
        mesh=mesh,
        scratch_types=[
            pltpu.VMEM((n_chunks, 128), jnp.int32),
            pltpu.VMEM((128, e_dim), jnp.float32),
            pltpu.VMEM((128,), jnp.float32),
            pltpu.VMEM((bins_per_sub,), jnp.float32),
            pltpu.VMEM_SHARED((n_e,), jnp.float32),
        ],
    )
    def k(cb_hbm, idx_hbm, zq_hbm, cnt_hbm, idx_v, rows_v, ones_v, zero_v, hist_sh):
        cid = lax.axis_index("c")
        sid = lax.axis_index("s")
        wid = sid * 2 + cid
        base_row = wid * n_chunks

        for m in range(bins_per_sub // 16):
            zero_v[pl.ds(m * 16, 16)] = jnp.zeros((16,), jnp.float32)
        pltpu.sync_copy(zero_v, hist_sh.at[pl.ds(sid * bins_per_sub, bins_per_sub)])
        for m in range(8):
            ones_v[pl.ds(m * 16, 16)] = jnp.ones((16,), jnp.float32)
        pltpu.sync_copy(idx_hbm.at[pl.ds(base_row, n_chunks)], idx_v)
        plsc.subcore_barrier()

        for kk in range(n_chunks):
            pltpu.sync_copy(cb_hbm.at[idx_v.at[kk]], rows_v)
            pltpu.sync_copy(rows_v, zq_hbm.at[pl.ds((base_row + kk) * 128, 128)])
            pltpu.sync_copy(ones_v, hist_sh.at[idx_v.at[kk]], add=True)

        plsc.subcore_barrier()
        pltpu.sync_copy(hist_sh.at[pl.ds(sid * bins_per_sub, bins_per_sub)],
                        zero_v)
        pltpu.sync_copy(zero_v, cnt_hbm.at[cid, pl.ds(sid * bins_per_sub, bins_per_sub)])

    return k(codebook, idx2d)


def _final_body(n_tok, e_dim, z_ref, zq_ref, cnt_ref, out_ref, loss_ref, perp_ref):
    i = pl.program_id(0)
    z = z_ref[...]
    zq = zq_ref[...]
    zn = z / jnp.maximum(jnp.sqrt(jnp.sum(z * z, axis=1, keepdims=True)), _EPS)
    zqn = zq / jnp.maximum(jnp.sqrt(jnp.sum(zq * zq, axis=1, keepdims=True)), _EPS)
    st = z + (zq - z)
    out_ref[...] = st / jnp.maximum(
        jnp.sqrt(jnp.sum(st * st, axis=1, keepdims=True)), _EPS)
    diff = zqn - zn
    part = jnp.sum(jnp.sum(diff * diff, axis=1, keepdims=True), axis=0,
                   keepdims=True)

    @pl.when(i == 0)
    def _():
        loss_ref[...] = jnp.zeros((1, 1), jnp.float32)
        cnt = cnt_ref[0:1, :] + cnt_ref[1:2, :]
        em = cnt / jnp.float32(n_tok)
        h = -jnp.sum(em * jnp.log(em + 1e-10), axis=1, keepdims=True)
        perp_ref[...] = jnp.exp(h)

    scale = (1.0 + _BETA) / (n_tok * e_dim)
    loss_ref[...] = loss_ref[...] + part * scale


def _finalize(z_flat, zq, counts, br):
    b, e_dim = z_flat.shape
    n_e = counts.shape[1]
    grid = (b // br,)
    return pl.pallas_call(
        functools.partial(_final_body, b, e_dim),
        grid=grid,
        in_specs=[
            pl.BlockSpec((br, e_dim), lambda i: (i, 0)),
            pl.BlockSpec((br, e_dim), lambda i: (i, 0)),
            pl.BlockSpec((2, n_e), lambda i: (0, 0)),
        ],
        out_specs=[
            pl.BlockSpec((br, e_dim), lambda i: (i, 0)),
            pl.BlockSpec((1, 1), lambda i: (0, 0)),
            pl.BlockSpec((1, 1), lambda i: (0, 0)),
        ],
        out_shape=[
            jax.ShapeDtypeStruct((b, e_dim), jnp.float32),
            jax.ShapeDtypeStruct((1, 1), jnp.float32),
            jax.ShapeDtypeStruct((1, 1), jnp.float32),
        ],
        compiler_params=pltpu.CompilerParams(
            dimension_semantics=("arbitrary",)),
    )(z_flat, zq, counts)


def kernel(z, codebook):
    n_e, e_dim = codebook.shape
    z_flat = z.reshape(-1, e_dim)
    b = z_flat.shape[0]

    emb_n, c = _normalize_codebook(codebook, block=1024)
    idx = _argmin_indices(z_flat, emb_n.T, c, br=512)
    idx2d = idx.reshape(b // 128, 128)
    zq, counts = _sc_gather_counts(codebook, idx2d, n_e, b)
    zq_out, loss, perp = _finalize(z_flat, zq, counts, br=2048)

    return (loss.reshape(()), zq_out.reshape(z.shape),
            idx.reshape(b), perp.reshape(()))

# --- scband reference (transcript-rebuilt; emitter-appended) ---
"""Pipeline reference for scband-factorized-quantizer-781684048561 (READ-ONLY COPY).

The authoritative reference and input builder live on the scoring server;
editing this copy changes nothing except your own understanding.
"""

import jax, jax.numpy as jnp
import numpy as np

N_E = 8192
E_DIM = 256
BETA = 0.25

def _normalize(x, eps=1e-12):
    n = jnp.linalg.norm(x, axis=-1, keepdims=True)
    return x / jnp.maximum(n, eps)

def setup_inputs(seed: int = 0):
    key = jax.random.key(seed)
    k1, k2 = jax.random.split(key)
    z = jax.random.normal(k1, (16, 1024, E_DIM), dtype=jnp.float32)
    codebook = jax.random.uniform(k2, (N_E, E_DIM), dtype=jnp.float32, minval=-1.0 / N_E, maxval=1.0 / N_E)
    return {"z": z, "codebook": codebook}

def reference(z, codebook):
    n_e, e_dim = codebook.shape
    z_flat = z.reshape(-1, e_dim)
    # use_norm=True path
    z_n = _normalize(z_flat)
    emb_n = _normalize(codebook)
    d = (jnp.sum(z_n ** 2, axis=1, keepdims=True)
         + jnp.sum(emb_n ** 2, axis=1)
         - 2.0 * jnp.matmul(z_n, emb_n.T))
    min_encoding_indices = jnp.argmin(d, axis=1)
    z_q = jnp.take(codebook, min_encoding_indices, axis=0).reshape(z.shape)
    z_q_norm = _normalize(z_q)
    z_norm = _normalize(z)
    loss = (jnp.mean((z_q_norm - jax.lax.stop_gradient(z_norm)) ** 2)
            + BETA * jnp.mean((jax.lax.stop_gradient(z_q_norm) - z_norm) ** 2))
    # straight-through estimator
    z_q_out = z + jax.lax.stop_gradient(z_q - z)
    z_q_out = _normalize(z_q_out)
    # perplexity: mean of one-hot encodings == normalized bincount (same math)
    counts = jnp.bincount(min_encoding_indices, length=n_e).astype(z.dtype)
    e_mean = counts / min_encoding_indices.shape[0]
    perplexity = jnp.exp(-jnp.sum(e_mean * jnp.log(e_mean + 1e-10)))
    return (loss, z_q_out, min_encoding_indices, perplexity)

if __name__ == "__main__":
    import jax
    _d = setup_inputs()
    print(jax.jit(kernel)(*tuple(_d.values())))

</pallas_src>

<mosaic_0001>
#map = affine_map<(d0, d1) -> (0, 0)>
module attributes {stable_mosaic.version = 14 : i64} {
  func.func @k(%arg0: i32, %arg1: i32, %arg2: memref<8192x256xf32, #tpu.memory_space<hbm>>, %arg3: memref<128x128xi32, #tpu.memory_space<hbm>>, %arg4: memref<16384x256xf32, #tpu.memory_space<hbm>>, %arg5: memref<2x8192xf32, #tpu.memory_space<hbm>>, %arg6: memref<4x128xi32, #tpu.memory_space<vmem>>, %arg7: memref<128x256xf32, #tpu.memory_space<vmem>>, %arg8: memref<128xf32, #tpu.memory_space<vmem>>, %arg9: memref<512xf32, #tpu.memory_space<vmem>>, %arg10: memref<8192xf32, #tpu.memory_space<vmem_shared>>) attributes {dimension_semantics = [#tpu.dimension_semantics<core_parallel>, #tpu.dimension_semantics<subcore_parallel>], iteration_bounds = array<i64: 2, 16>, scalar_prefetch = 0 : i64, scratch_operands = 5 : i64, tpu.core_type = #tpu.core_type<sc_vector_subcore>, window_params = [{transform_indices = #map}, {transform_indices = #map}, {transform_indices = #map}, {transform_indices = #map}]} {
    %mul3A = arith.constant 2 : i32
    %mul3A_0 = arith.muli %arg1, %mul3A : i32
    %add3A = arith.addi %mul3A_0, %arg0 : i32
    %mul3A_1 = arith.constant 4 : i32
    %mul3A_2 = arith.muli %add3A, %mul3A_1 : i32
    %broadcast_in_dim3A = arith.constant 0.000000e+00 : f32
    %broadcast_in_dim3A_3 = vector.broadcast %broadcast_in_dim3A : f32 to vector<16xf32>
    %swap3A = arith.constant 0 : index
    %swap3A_4 = tpu.vector_load %arg9[%swap3A] {strides = array<i32>} : memref<512xf32, #tpu.memory_space<vmem>>, vector<16xf32>,
    %swap3A_5 = vector.shape_cast %swap3A_4 : vector<16xf32> to vector<16xf32>
    %swap3A_6 = vector.shape_cast %broadcast_in_dim3A_3 : vector<16xf32> to vector<16xf32>
    tpu.vector_store %arg9[%swap3A], %swap3A_6 {strides = array<i32>} : memref<512xf32, #tpu.memory_space<vmem>>, vector<16xf32>,
    %broadcast_in_dim3A_7 = arith.constant 0.000000e+00 : f32
    %broadcast_in_dim3A_8 = vector.broadcast %broadcast_in_dim3A_7 : f32 to vector<16xf32>
    %swap3A_9 = arith.constant 16 : index
    %swap3A_10 = tpu.vector_load %arg9[%swap3A_9] {strides = array<i32>} : memref<512xf32, #tpu.memory_space<vmem>>, vector<16xf32>,
    %swap3A_11 = vector.shape_cast %swap3A_10 : vector<16xf32> to vector<16xf32>
    %swap3A_12 = vector.shape_cast %broadcast_in_dim3A_8 : vector<16xf32> to vector<16xf32>
    tpu.vector_store %arg9[%swap3A_9], %swap3A_12 {strides = array<i32>} : memref<512xf32, #tpu.memory_space<vmem>>, vector<16xf32>,
    %broadcast_in_dim3A_13 = arith.constant 0.000000e+00 : f32
    %broadcast_in_dim3A_14 = vector.broadcast %broadcast_in_dim3A_13 : f32 to vector<16xf32>
    %swap3A_15 = arith.constant 32 : index
    %swap3A_16 = tpu.vector_load %arg9[%swap3A_15] {strides = array<i32>} : memref<512xf32, #tpu.memory_space<vmem>>, vector<16xf32>,
    %swap3A_17 = vector.shape_cast %swap3A_16 : vector<16xf32> to vector<16xf32>
    %swap3A_18 = vector.shape_cast %broadcast_in_dim3A_14 : vector<16xf32> to vector<16xf32>
    tpu.vector_store %arg9[%swap3A_15], %swap3A_18 {strides = array<i32>} : memref<512xf32, #tpu.memory_space<vmem>>, vector<16xf32>,
    %broadcast_in_dim3A_19 = arith.constant 0.000000e+00 : f32
    %broadcast_in_dim3A_20 = vector.broadcast %broadcast_in_dim3A_19 : f32 to vector<16xf32>
    %swap3A_21 = arith.constant 48 : index
    %swap3A_22 = tpu.vector_load %arg9[%swap3A_21] {strides = array<i32>} : memref<512xf32, #tpu.memory_space<vmem>>, vector<16xf32>,
    %swap3A_23 = vector.shape_cast %swap3A_22 : vector<16xf32> to vector<16xf32>
    %swap3A_24 = vector.shape_cast %broadcast_in_dim3A_20 : vector<16xf32> to vector<16xf32>
    tpu.vector_store %arg9[%swap3A_21], %swap3A_24 {strides = array<i32>} : memref<512xf32, #tpu.memory_space<vmem>>, vector<16xf32>,
    %broadcast_in_dim3A_25 = arith.constant 0.000000e+00 : f32
    %broadcast_in_dim3A_26 = vector.broadcast %broadcast_in_dim3A_25 : f32 to vector<16xf32>
    %swap3A_27 = arith.constant 64 : index
    %swap3A_28 = tpu.vector_load %arg9[%swap3A_27] {strides = array<i32>} : memref<512xf32, #tpu.memory_space<vmem>>, vector<16xf32>,
    %swap3A_29 = vector.shape_cast %swap3A_28 : vector<16xf32> to vector<16xf32>
    %swap3A_30 = vector.shape_cast %broadcast_in_dim3A_26 : vector<16xf32> to vector<16xf32>
    tpu.vector_store %arg9[%swap3A_27], %swap3A_30 {strides = array<i32>} : memref<512xf32, #tpu.memory_space<vmem>>, vector<16xf32>,
    %broadcast_in_dim3A_31 = arith.constant 0.000000e+00 : f32
    %broadcast_in_dim3A_32 = vector.broadcast %broadcast_in_dim3A_31 : f32 to vector<16xf32>
    %swap3A_33 = arith.constant 80 : index
    %swap3A_34 = tpu.vector_load %arg9[%swap3A_33] {strides = array<i32>} : memref<512xf32, #tpu.memory_space<vmem>>, vector<16xf32>,
    %swap3A_35 = vector.shape_cast %swap3A_34 : vector<16xf32> to vector<16xf32>
    %swap3A_36 = vector.shape_cast %broadcast_in_dim3A_32 : vector<16xf32> to vector<16xf32>
    tpu.vector_store %arg9[%swap3A_33], %swap3A_36 {strides = array<i32>} : memref<512xf32, #tpu.memory_space<vmem>>, vector<16xf32>,
    %broadcast_in_dim3A_37 = arith.constant 0.000000e+00 : f32
    %broadcast_in_dim3A_38 = vector.broadcast %broadcast_in_dim3A_37 : f32 to vector<16xf32>
    %swap3A_39 = arith.constant 96 : index
    %swap3A_40 = tpu.vector_load %arg9[%swap3A_39] {strides = array<i32>} : memref<512xf32, #tpu.memory_space<vmem>>, vector<16xf32>,
    %swap3A_41 = vector.shape_cast %swap3A_40 : vector<16xf32> to vector<16xf32>
    %swap3A_42 = vector.shape_cast %broadcast_in_dim3A_38 : vector<16xf32> to vector<16xf32>
    tpu.vector_store %arg9[%swap3A_39], %swap3A_42 {strides = array<i32>} : memref<512xf32, #tpu.memory_space<vmem>>, vector<16xf32>,
    %broadcast_in_dim3A_43 = arith.constant 0.000000e+00 : f32
    %broadcast_in_dim3A_44 = vector.broadcast %broadcast_in_dim3A_43 : f32 to vector<16xf32>
    %swap3A_45 = arith.constant 112 : index
    %swap3A_46 = tpu.vector_load %arg9[%swap3A_45] {strides = array<i32>} : memref<512xf32, #tpu.memory_space<vmem>>, vector<16xf32>,
    %swap3A_47 = vector.shape_cast %swap3A_46 : vector<16xf32> to vector<16xf32>
    %swap3A_48 = vector.shape_cast %broadcast_in_dim3A_44 : vector<16xf32> to vector<16xf32>
    tpu.vector_store %arg9[%swap3A_45], %swap3A_48 {strides = array<i32>} : memref<512xf32, #tpu.memory_space<vmem>>, vector<16xf32>,
    %broadcast_in_dim3A_49 = arith.constant 0.000000e+00 : f32
    %broadcast_in_dim3A_50 = vector.broadcast %broadcast_in_dim3A_49 : f32 to vector<16xf32>
    %swap3A_51 = arith.constant 128 : index
    %swap3A_52 = tpu.vector_load %arg9[%swap3A_51] {strides = array<i32>} : memref<512xf32, #tpu.memory_space<vmem>>, vector<16xf32>,
    %swap3A_53 = vector.shape_cast %swap3A_52 : vector<16xf32> to vector<16xf32>
    %swap3A_54 = vector.shape_cast %broadcast_in_dim3A_50 : vector<16xf32> to vector<16xf32>
    tpu.vector_store %arg9[%swap3A_51], %swap3A_54 {strides = array<i32>} : memref<512xf32, #tpu.memory_space<vmem>>, vector<16xf32>,
    %broadcast_in_dim3A_55 = arith.constant 0.000000e+00 : f32
    %broadcast_in_dim3A_56 = vector.broadcast %broadcast_in_dim3A_55 : f32 to vector<16xf32>
    %swap3A_57 = arith.constant 144 : index
    %swap3A_58 = tpu.vector_load %arg9[%swap3A_57] {strides = array<i32>} : memref<512xf32, #tpu.memory_space<vmem>>, vector<16xf32>,
    %swap3A_59 = vector.shape_cast %swap3A_58 : vector<16xf32> to vector<16xf32>
    %swap3A_60 = vector.shape_cast %broadcast_in_dim3A_56 : vector<16xf32> to vector<16xf32>
    tpu.vector_store %arg9[%swap3A_57], %swap3A_60 {strides = array<i32>} : memref<512xf32, #tpu.memory_space<vmem>>, vector<16xf32>,
    %broadcast_in_dim3A_61 = arith.constant 0.000000e+00 : f32
    %broadcast_in_dim3A_62 = vector.broadcast %broadcast_in_dim3A_61 : f32 to vector<16xf32>
    %swap3A_63 = arith.constant 160 : index
    %swap3A_64 = tpu.vector_load %arg9[%swap3A_63] {strides = array<i32>} : memref<512xf32, #tpu.memory_space<vmem>>, vector<16xf32>,
    %swap3A_65 = vector.shape_cast %swap3A_64 : vector<16xf32> to vector<16xf32>
    %swap3A_66 = vector.shape_cast %broadcast_in_dim3A_62 : vector<16xf32> to vector<16xf32>
    tpu.vector_store %arg9[%swap3A_63], %swap3A_66 {strides = array<i32>} : memref<512xf32, #tpu.memory_space<vmem>>, vector<16xf32>,
    %broadcast_in_dim3A_67 = arith.constant 0.000000e+00 : f32
    %broadcast_in_dim3A_68 = vector.broadcast %broadcast_in_dim3A_67 : f32 to vector<16xf32>
    %swap3A_69 = arith.constant 176 : index
    %swap3A_70 = tpu.vector_load %arg9[%swap3A_69] {strides = array<i32>} : memref<512xf32, #tpu.memory_space<vmem>>, vector<16xf32>,
    %swap3A_71 = vector.shape_cast %swap3A_70 : vector<16xf32> to vector<16xf32>
    %swap3A_72 = vector.shape_cast %broadcast_in_dim3A_68 : vector<16xf32> to vector<16xf32>
    tpu.vector_store %arg9[%swap3A_69], %swap3A_72 {strides = array<i32>} : memref<512xf32, #tpu.memory_space<vmem>>, vector<16xf32>,
    %broadcast_in_dim3A_73 = arith.constant 0.000000e+00 : f32
    %broadcast_in_dim3A_74 = vector.broadcast %broadcast_in_dim3A_73 : f32 to vector<16xf32>
    %swap3A_75 = arith.constant 192 : index
    %swap3A_76 = tpu.vector_load %arg9[%swap3A_75] {strides = array<i32>} : memref<512xf32, #tpu.memory_space<vmem>>, vector<16xf32>,
    %swap3A_77 = vector.shape_cast %swap3A_76 : vector<16xf32> to vector<16xf32>
    %swap3A_78 = vector.shape_cast %broadcast_in_dim3A_74 : vector<16xf32> to vector<16xf32>
    tpu.vector_store %arg9[%swap3A_75], %swap3A_78 {strides = array<i32>} : memref<512xf32, #tpu.memory_space<vmem>>, vector<16xf32>,
    %broadcast_in_dim3A_79 = arith.constant 0.000000e+00 : f32
    %broadcast_in_dim3A_80 = vector.broadcast %broadcast_in_dim3A_79 : f32 to vector<16xf32>
    %swap3A_81 = arith.constant 208 : index
    %swap3A_82 = tpu.vector_load %arg9[%swap3A_81] {strides = array<i32>} : memref<512xf32, #tpu.memory_space<vmem>>, vector<16xf32>,
    %swap3A_83 = vector.shape_cast %swap3A_82 : vector<16xf32> to vector<16xf32>
    %swap3A_84 = vector.shape_cast %broadcast_in_dim3A_80 : vector<16xf32> to vector<16xf32>
    tpu.vector_store %arg9[%swap3A_81], %swap3A_84 {strides = array<i32>} : memref<512xf32, #tpu.memory_space<vmem>>, vector<16xf32>,
    %broadcast_in_dim3A_85 = arith.constant 0.000000e+00 : f32
    %broadcast_in_dim3A_86 = vector.broadcast %broadcast_in_dim3A_85 : f32 to vector<16xf32>
    %swap3A_87 = arith.constant 224 : index
    %swap3A_88 = tpu.vector_load %arg9[%swap3A_87] {strides = array<i32>} : memref<512xf32, #tpu.memory_space<vmem>>, vector<16xf32>,
    %swap3A_89 = vector.shape_cast %swap3A_88 : vector<16xf32> to vector<16xf32>
    %swap3A_90 = vector.shape_cast %broadcast_in_dim3A_86 : vector<16xf32> to vector<16xf32>
    tpu.vector_store %arg9[%swap3A_87], %swap3A_90 {strides = array<i32>} : memref<512xf32, #tpu.memory_space<vmem>>, vector<16xf32>,
    %broadcast_in_dim3A_91 = arith.constant 0.000000e+00 : f32
    %broadcast_in_dim3A_92 = vector.broadcast %broadcast_in_dim3A_91 : f32 to vector<16xf32>
    %swap3A_93 = arith.constant 240 : index
    %swap3A_94 = tpu.vector_load %arg9[%swap3A_93] {strides = array<i32>} : memref<512xf32, #tpu.memory_space<vmem>>, vector<16xf32>,
    %swap3A_95 = vector.shape_cast %swap3A_94 : vector<16xf32> to vector<16xf32>
    %swap3A_96 = vector.shape_cast %broadcast_in_dim3A_92 : vector<16xf32> to vector<16xf32>
    tpu.vector_store %arg9[%swap3A_93], %swap3A_96 {strides = array<i32>} : memref<512xf32, #tpu.memory_space<vmem>>, vector<16xf32>,
    %broadcast_in_dim3A_97 = arith.constant 0.000000e+00 : f32
    %broadcast_in_dim3A_98 = vector.broadcast %broadcast_in_dim3A_97 : f32 to vector<16xf32>
    %swap3A_99 = arith.constant 256 : index
    %swap3A_100 = tpu.vector_load %arg9[%swap3A_99] {strides = array<i32>} : memref<512xf32, #tpu.memory_space<vmem>>, vector<16xf32>,
    %swap3A_101 = vector.shape_cast %swap3A_100 : vector<16xf32> to vector<16xf32>
    %swap3A_102 = vector.shape_cast %broadcast_in_dim3A_98 : vector<16xf32> to vector<16xf32>
    tpu.vector_store %arg9[%swap3A_99], %swap3A_102 {strides = array<i32>} : memref<512xf32, #tpu.memory_space<vmem>>, vector<16xf32>,
    %broadcast_in_dim3A_103 = arith.constant 0.000000e+00 : f32
    %broadcast_in_dim3A_104 = vector.broadcast %broadcast_in_dim3A_103 : f32 to vector<16xf32>
    %swap3A_105 = arith.constant 272 : index
    %swap3A_106 = tpu.vector_load %arg9[%swap3A_105] {strides = array<i32>} : memref<512xf32, #tpu.memory_space<vmem>>, vector<16xf32>,
    %swap3A_107 = vector.shape_cast %swap3A_106 : vector<16xf32> to vector<16xf32>
    %swap3A_108 = vector.shape_cast %broadcast_in_dim3A_104 : vector<16xf32> to vector<16xf32>
    tpu.vector_store %arg9[%swap3A_105], %swap3A_108 {strides = array<i32>} : memref<512xf32, #tpu.memory_space<vmem>>, vector<16xf32>,
    %broadcast_in_dim3A_109 = arith.constant 0.000000e+00 : f32
    %broadcast_in_dim3A_110 = vector.broadcast %broadcast_in_dim3A_109 : f32 to vector<16xf32>
    %swap3A_111 = arith.constant 288 : index
    %swap3A_112 = tpu.vector_load %arg9[%swap3A_111] {strides = array<i32>} : memref<512xf32, #tpu.memory_space<vmem>>, vector<16xf32>,
    %swap3A_113 = vector.shape_cast %swap3A_112 : vector<16xf32> to vector<16xf32>
    %swap3A_114 = vector.shape_cast %broadcast_in_dim3A_110 : vector<16xf32> to vector<16xf32>
    tpu.vector_store %arg9[%swap3A_111], %swap3A_114 {strides = array<i32>} : memref<512xf32, #tpu.memory_space<vmem>>, vector<16xf32>,
    %broadcast_in_dim3A_115 = arith.constant 0.000000e+00 : f32
    %broadcast_in_dim3A_116 = vector.broadcast %broadcast_in_dim3A_115 : f32 to vector<16xf32>
    %swap3A_117 = arith.constant 304 : index
    %swap3A_118 = tpu.vector_load %arg9[%swap3A_117] {strides = array<i32>} : memref<512xf32, #tpu.memory_space<vmem>>, vector<16xf32>,
    %swap3A_119 = vector.shape_cast %swap3A_118 : vector<16xf32> to vector<16xf32>
    %swap3A_120 = vector.shape_cast %broadcast_in_dim3A_116 : vector<16xf32> to vector<16xf32>
    tpu.vector_store %arg9[%swap3A_117], %swap3A_120 {strides = array<i32>} : memref<512xf32, #tpu.memory_space<vmem>>, vector<16xf32>,
    %broadcast_in_dim3A_121 = arith.constant 0.000000e+00 : f32
    %broadcast_in_dim3A_122 = vector.broadcast %broadcast_in_dim3A_121 : f32 to vector<16xf32>
    %swap3A_123 = arith.constant 320 : index
    %swap3A_124 = tpu.vector_load %arg9[%swap3A_123] {strides = array<i32>} : memref<512xf32, #tpu.memory_space<vmem>>, vector<16xf32>,
    %swap3A_125 = vector.shape_cast %swap3A_124 : vector<16xf32> to vector<16xf32>
    %swap3A_126 = vector.shape_cast %broadcast_in_dim3A_122 : vector<16xf32> to vector<16xf32>
    tpu.vector_store %arg9[%swap3A_123], %swap3A_126 {strides = array<i32>} : memref<512xf32, #tpu.memory_space<vmem>>, vector<16xf32>,
    %broadcast_in_dim3A_127 = arith.constant 0.000000e+00 : f32
    %broadcast_in_dim3A_128 = vector.broadcast %broadcast_in_dim3A_127 : f32 to vector<16xf32>
    %swap3A_129 = arith.constant 336 : index
    %swap3A_130 = tpu.vector_load %arg9[%swap3A_129] {strides = array<i32>} : memref<512xf32, #tpu.memory_space<vmem>>, vector<16xf32>,
    %swap3A_131 = vector.shape_cast %swap3A_130 : vector<16xf32> to vector<16xf32>
    %swap3A_132 = vector.shape_cast %broadcast_in_dim3A_128 : vector<16xf32> to vector<16xf32>
    tpu.vector_store %arg9[%swap3A_129], %swap3A_132 {strides = array<i32>} : memref<512xf32, #tpu.memory_space<vmem>>, vector<16xf32>,
    %broadcast_in_dim3A_133 = arith.constant 0.000000e+00 : f32
    %broadcast_in_dim3A_134 = vector.broadcast %broadcast_in_dim3A_133 : f32 to vector<16xf32>
    %swap3A_135 = arith.constant 352 : index
    %swap3A_136 = tpu.vector_load %arg9[%swap3A_135] {strides = array<i32>} : memref<512xf32, #tpu.memory_space<vmem>>, vector<16xf32>,
    %swap3A_137 = vector.shape_cast %swap3A_136 : vector<16xf32> to vector<16xf32>
    %swap3A_138 = vector.shape_cast %broadcast_in_dim3A_134 : vector<16xf32> to vector<16xf32>
    tpu.vector_store %arg9[%swap3A_135], %swap3A_138 {strides = array<i32>} : memref<512xf32, #tpu.memory_space<vmem>>, vector<16xf32>,
    %broadcast_in_dim3A_139 = arith.constant 0.000000e+00 : f32
    %broadcast_in_dim3A_140 = vector.broadcast %broadcast_in_dim3A_139 : f32 to vector<16xf32>
    %swap3A_141 = arith.constant 368 : index
    %swap3A_142 = tpu.vector_load %arg9[%swap3A_141] {strides = array<i32>} : memref<512xf32, #tpu.memory_space<vmem>>, vector<16xf32>,
    %swap3A_143 = vector.shape_cast %swap3A_142 : vector<16xf32> to vector<16xf32>
    %swap3A_144 = vector.shape_cast %broadcast_in_dim3A_140 : vector<16xf32> to vector<16xf32>
    tpu.vector_store %arg9[%swap3A_141], %swap3A_144 {strides = array<i32>} : memref<512xf32, #tpu.memory_space<vmem>>, vector<16xf32>,
    %broadcast_in_dim3A_145 = arith.constant 0.000000e+00 : f32
    %broadcast_in_dim3A_146 = vector.broadcast %broadcast_in_dim3A_145 : f32 to vector<16xf32>
    %swap3A_147 = arith.constant 384 : index
    %swap3A_148 = tpu.vector_load %arg9[%swap3A_147] {strides = array<i32>} : memref<512xf32, #tpu.memory_space<vmem>>, vector<16xf32>,
    %swap3A_149 = vector.shape_cast %swap3A_148 : vector<16xf32> to vector<16xf32>
    %swap3A_150 = vector.shape_cast %broadcast_in_dim3A_146 : vector<16xf32> to vector<16xf32>
    tpu.vector_store %arg9[%swap3A_147], %swap3A_150 {strides = array<i32>} : memref<512xf32, #tpu.memory_space<vmem>>, vector<16xf32>,
    %broadcast_in_dim3A_151 = arith.constant 0.000000e+00 : f32
    %broadcast_in_dim3A_152 = vector.broadcast %broadcast_in_dim3A_151 : f32 to vector<16xf32>
    %swap3A_153 = arith.constant 400 : index
    %swap3A_154 = tpu.vector_load %arg9[%swap3A_153] {strides = array<i32>} : memref<512xf32, #tpu.memory_space<vmem>>, vector<16xf32>,
    %swap3A_155 = vector.shape_cast %swap3A_154 : vector<16xf32> to vector<16xf32>
    %swap3A_156 = vector.shape_cast %broadcast_in_dim3A_152 : vector<16xf32> to vector<16xf32>
    tpu.vector_store %arg9[%swap3A_153], %swap3A_156 {strides = array<i32>} : memref<512xf32, #tpu.memory_space<vmem>>, vector<16xf32>,
    %broadcast_in_dim3A_157 = arith.constant 0.000000e+00 : f32
    %broadcast_in_dim3A_158 = vector.broadcast %broadcast_in_dim3A_157 : f32 to vector<16xf32>
    %swap3A_159 = arith.constant 416 : index
    %swap3A_160 = tpu.vector_load %arg9[%swap3A_159] {strides = array<i32>} : memref<512xf32, #tpu.memory_space<vmem>>, vector<16xf32>,
    %swap3A_161 = vector.shape_cast %swap3A_160 : vector<16xf32> to vector<16xf32>
    %swap3A_162 = vector.shape_cast %broadcast_in_dim3A_158 : vector<16xf32> to vector<16xf32>
    tpu.vector_store %arg9[%swap3A_159], %swap3A_162 {strides = array<i32>} : memref<512xf32, #tpu.memory_space<vmem>>, vector<16xf32>,
    %broadcast_in_dim3A_163 = arith.constant 0.000000e+00 : f32
    %broadcast_in_dim3A_164 = vector.broadcast %broadcast_in_dim3A_163 : f32 to vector<16xf32>
    %swap3A_165 = arith.constant 432 : index
    %swap3A_166 = tpu.vector_load %arg9[%swap3A_165] {strides = array<i32>} : memref<512xf32, #tpu.memory_space<vmem>>, vector<16xf32>,
    %swap3A_167 = vector.shape_cast %swap3A_166 : vector<16xf32> to vector<16xf32>
    %swap3A_168 = vector.shape_cast %broadcast_in_dim3A_164 : vector<16xf32> to vector<16xf32>
    tpu.vector_store %arg9[%swap3A_165], %swap3A_168 {strides = array<i32>} : memref<512xf32, #tpu.memory_space<vmem>>, vector<16xf32>,
    %broadcast_in_dim3A_169 = arith.constant 0.000000e+00 : f32
    %broadcast_in_dim3A_170 = vector.broadcast %broadcast_in_dim3A_169 : f32 to vector<16xf32>
    %swap3A_171 = arith.constant 448 : index
    %swap3A_172 = tpu.vector_load %arg9[%swap3A_171] {strides = array<i32>} : memref<512xf32, #tpu.memory_space<vmem>>, vector<16xf32>,
    %swap3A_173 = vector.shape_cast %swap3A_172 : vector<16xf32> to vector<16xf32>
    %swap3A_174 = vector.shape_cast %broadcast_in_dim3A_170 : vector<16xf32> to vector<16xf32>
    tpu.vector_store %arg9[%swap3A_171], %swap3A_174 {strides = array<i32>} : memref<512xf32, #tpu.memory_space<vmem>>, vector<16xf32>,
    %broadcast_in_dim3A_175 = arith.constant 0.000000e+00 : f32
    %broadcast_in_dim3A_176 = vector.broadcast %broadcast_in_dim3A_175 : f32 to vector<16xf32>
    %swap3A_177 = arith.constant 464 : index
    %swap3A_178 = tpu.vector_load %arg9[%swap3A_177] {strides = array<i32>} : memref<512xf32, #tpu.memory_space<vmem>>, vector<16xf32>,
    %swap3A_179 = vector.shape_cast %swap3A_178 : vector<16xf32> to vector<16xf32>
    %swap3A_180 = vector.shape_cast %broadcast_in_dim3A_176 : vector<16xf32> to vector<16xf32>
    tpu.vector_store %arg9[%swap3A_177], %swap3A_180 {strides = array<i32>} : memref<512xf32, #tpu.memory_space<vmem>>, vector<16xf32>,
    %broadcast_in_dim3A_181 = arith.constant 0.000000e+00 : f32
    %broadcast_in_dim3A_182 = vector.broadcast %broadcast_in_dim3A_181 : f32 to vector<16xf32>
    %swap3A_183 = arith.constant 480 : index
    %swap3A_184 = tpu.vector_load %arg9[%swap3A_183] {strides = array<i32>} : memref<512xf32, #tpu.memory_space<vmem>>, vector<16xf32>,
    %swap3A_185 = vector.shape_cast %swap3A_184 : vector<16xf32> to vector<16xf32>
    %swap3A_186 = vector.shape_cast %broadcast_in_dim3A_182 : vector<16xf32> to vector<16xf32>
    tpu.vector_store %arg9[%swap3A_183], %swap3A_186 {strides = array<i32>} : memref<512xf32, #tpu.memory_space<vmem>>, vector<16xf32>,
    %broadcast_in_dim3A_187 = arith.constant 0.000000e+00 : f32
    %broadcast_in_dim3A_188 = vector.broadcast %broadcast_in_dim3A_187 : f32 to vector<16xf32>
    %swap3A_189 = arith.constant 496 : index
    %swap3A_190 = tpu.vector_load %arg9[%swap3A_189] {strides = array<i32>} : memref<512xf32, #tpu.memory_space<vmem>>, vector<16xf32>,
    %swap3A_191 = vector.shape_cast %swap3A_190 : vector<16xf32> to vector<16xf32>
    %swap3A_192 = vector.shape_cast %broadcast_in_dim3A_188 : vector<16xf32> to vector<16xf32>
    tpu.vector_store %arg9[%swap3A_189], %swap3A_192 {strides = array<i32>} : memref<512xf32, #tpu.memory_space<vmem>>, vector<16xf32>,
    %mul3A_193 = arith.constant 512 : i32
    %mul3A_194 = arith.muli %arg1, %mul3A_193 : i32
    "tpu.region"() ({
      %run_scoped3A_271 = tpu.sem_alloc : memref<!tpu.dma_semaphore, #tpu.memory_space<semaphore_mem>>
      %dma_start3A = tpu.memref_slice %arg10[%mul3A_194] : memref<8192xf32, #tpu.memory_space<vmem_shared>> -> memref<512xf32, #tpu.memory_space<vmem_shared>>
      %dma_start3A_272 = tpu.memref_slice %arg10[%mul3A_194] : memref<8192xf32, #tpu.memory_space<vmem_shared>> -> memref<512xf32, #tpu.memory_space<vmem_shared>>
      tpu.enqueue_dma source(%arg9 : memref<512xf32, #tpu.memory_space<vmem>>) target(%dma_start3A_272 : memref<512xf32, #tpu.memory_space<vmem_shared>>) target_semaphore(%run_scoped3A_271 : memref<!tpu.dma_semaphore, #tpu.memory_space<semaphore_mem>>)
      %dma_wait3A = tpu.memref_slice %arg10[%mul3A_194] : memref<8192xf32, #tpu.memory_space<vmem_shared>> -> memref<512xf32, #tpu.memory_space<vmem_shared>>
      %dma_wait3A_273 = tpu.memref_slice %arg10[%mul3A_194] : memref<8192xf32, #tpu.memory_space<vmem_shared>> -> memref<512xf32, #tpu.memory_space<vmem_shared>>
      tpu.wait_dma2 semaphore(%run_scoped3A_271 : memref<!tpu.dma_semaphore, #tpu.memory_space<semaphore_mem>>) src(%arg9 : memref<512xf32, #tpu.memory_space<vmem>>) dst(%dma_wait3A_273 : memref<512xf32, #tpu.memory_space<vmem_shared>>)
      tpu.yield
    }) : () -> ()
    %broadcast_in_dim3A_195 = arith.constant 1.000000e+00 : f32
    %broadcast_in_dim3A_196 = vector.broadcast %broadcast_in_dim3A_195 : f32 to vector<16xf32>
    %swap3A_197 = arith.constant 0 : index
    %swap3A_198 = tpu.vector_load %arg8[%swap3A_197] {strides = array<i32>} : memref<128xf32, #tpu.memory_space<vmem>>, vector<16xf32>,
    %swap3A_199 = vector.shape_cast %swap3A_198 : vector<16xf32> to vector<16xf32>
    %swap3A_200 = vector.shape_cast %broadcast_in_dim3A_196 : vector<16xf32> to vector<16xf32>
    tpu.vector_store %arg8[%swap3A_197], %swap3A_200 {strides = array<i32>} : memref<128xf32, #tpu.memory_space<vmem>>, vector<16xf32>,
    %broadcast_in_dim3A_201 = arith.constant 1.000000e+00 : f32
    %broadcast_in_dim3A_202 = vector.broadcast %broadcast_in_dim3A_201 : f32 to vector<16xf32>
    %swap3A_203 = arith.constant 16 : index
    %swap3A_204 = tpu.vector_load %arg8[%swap3A_203] {strides = array<i32>} : memref<128xf32, #tpu.memory_space<vmem>>, vector<16xf32>,
    %swap3A_205 = vector.shape_cast %swap3A_204 : vector<16xf32> to vector<16xf32>
    %swap3A_206 = vector.shape_cast %broadcast_in_dim3A_202 : vector<16xf32> to vector<16xf32>
    tpu.vector_store %arg8[%swap3A_203], %swap3A_206 {strides = array<i32>} : memref<128xf32, #tpu.memory_space<vmem>>, vector<16xf32>,
    %broadcast_in_dim3A_207 = arith.constant 1.000000e+00 : f32
    %broadcast_in_dim3A_208 = vector.broadcast %broadcast_in_dim3A_207 : f32 to vector<16xf32>
    %swap3A_209 = arith.constant 32 : index
    %swap3A_210 = tpu.vector_load %arg8[%swap3A_209] {strides = array<i32>} : memref<128xf32, #tpu.memory_space<vmem>>, vector<16xf32>,
    %swap3A_211 = vector.shape_cast %swap3A_210 : vector<16xf32> to vector<16xf32>
    %swap3A_212 = vector.shape_cast %broadcast_in_dim3A_208 : vector<16xf32> to vector<16xf32>
    tpu.vector_store %arg8[%swap3A_209], %swap3A_212 {strides = array<i32>} : memref<128xf32, #tpu.memory_space<vmem>>, vector<16xf32>,
    %broadcast_in_dim3A_213 = arith.constant 1.000000e+00 : f32
    %broadcast_in_dim3A_214 = vector.broadcast %broadcast_in_dim3A_213 : f32 to vector<16xf32>
    %swap3A_215 = arith.constant 48 : index
    %swap3A_216 = tpu.vector_load %arg8[%swap3A_215] {strides = array<i32>} : memref<128xf32, #tpu.memory_space<vmem>>, vector<16xf32>,
    %swap3A_217 = vector.shape_cast %swap3A_216 : vector<16xf32> to vector<16xf32>
    %swap3A_218 = vector.shape_cast %broadcast_in_dim3A_214 : vector<16xf32> to vector<16xf32>
    tpu.vector_store %arg8[%swap3A_215], %swap3A_218 {strides = array<i32>} : memref<128xf32, #tpu.memory_space<vmem>>, vector<16xf32>,
    %broadcast_in_dim3A_219 = arith.constant 1.000000e+00 : f32
    %broadcast_in_dim3A_220 = vector.broadcast %broadcast_in_dim3A_219 : f32 to vector<16xf32>
    %swap3A_221 = arith.constant 64 : index
    %swap3A_222 = tpu.vector_load %arg8[%swap3A_221] {strides = array<i32>} : memref<128xf32, #tpu.memory_space<vmem>>, vector<16xf32>,
    %swap3A_223 = vector.shape_cast %swap3A_222 : vector<16xf32> to vector<16xf32>
    %swap3A_224 = vector.shape_cast %broadcast_in_dim3A_220 : vector<16xf32> to vector<16xf32>
    tpu.vector_store %arg8[%swap3A_221], %swap3A_224 {strides = array<i32>} : memref<128xf32, #tpu.memory_space<vmem>>, vector<16xf32>,
    %broadcast_in_dim3A_225 = arith.constant 1.000000e+00 : f32
    %broadcast_in_dim3A_226 = vector.broadcast %broadcast_in_dim3A_225 : f32 to vector<16xf32>
    %swap3A_227 = arith.constant 80 : index
    %swap3A_228 = tpu.vector_load %arg8[%swap3A_227] {strides = array<i32>} : memref<128xf32, #tpu.memory_space<vmem>>, vector<16xf32>,
    %swap3A_229 = vector.shape_cast %swap3A_228 : vector<16xf32> to vector<16xf32>
    %swap3A_230 = vector.shape_cast %broadcast_in_dim3A_226 : vector<16xf32> to vector<16xf32>
    tpu.vector_store %arg8[%swap3A_227], %swap3A_230 {strides = array<i32>} : memref<128xf32, #tpu.memory_space<vmem>>, vector<16xf32>,
    %broadcast_in_dim3A_231 = arith.constant 1.000000e+00 : f32
    %broadcast_in_dim3A_232 = vector.broadcast %broadcast_in_dim3A_231 : f32 to vector<16xf32>
    %swap3A_233 = arith.constant 96 : index
    %swap3A_234 = tpu.vector_load %arg8[%swap3A_233] {strides = array<i32>} : memref<128xf32, #tpu.memory_space<vmem>>, vector<16xf32>,
    %swap3A_235 = vector.shape_cast %swap3A_234 : vector<16xf32> to vector<16xf32>
    %swap3A_236 = vector.shape_cast %broadcast_in_dim3A_232 : vector<16xf32> to vector<16xf32>
    tpu.vector_store %arg8[%swap3A_233], %swap3A_236 {strides = array<i32>} : memref<128xf32, #tpu.memory_space<vmem>>, vector<16xf32>,
    %broadcast_in_dim3A_237 = arith.constant 1.000000e+00 : f32
    %broadcast_in_dim3A_238 = vector.broadcast %broadcast_in_dim3A_237 : f32 to vector<16xf32>
    %swap3A_239 = arith.constant 112 : index
    %swap3A_240 = tpu.vector_load %arg8[%swap3A_239] {strides = array<i32>} : memref<128xf32, #tpu.memory_space<vmem>>, vector<16xf32>,
    %swap3A_241 = vector.shape_cast %swap3A_240 : vector<16xf32> to vector<16xf32>
    %swap3A_242 = vector.shape_cast %broadcast_in_dim3A_238 : vector<16xf32> to vector<16xf32>
    tpu.vector_store %arg8[%swap3A_239], %swap3A_242 {strides = array<i32>} : memref<128xf32, #tpu.memory_space<vmem>>, vector<16xf32>,
    "tpu.region"() ({
      %run_scoped3A_271 = tpu.sem_alloc : memref<!tpu.dma_semaphore, #tpu.memory_space<semaphore_mem>>
      %dma_start3A = arith.constant 0 : i32
      %dma_start3A_272 = tpu.memref_slice %arg3[%mul3A_2, %dma_start3A] : memref<128x128xi32, #tpu.memory_space<hbm>> -> memref<4x128xi32, #tpu.memory_space<hbm>>
      %dma_start3A_273 = arith.constant 0 : i32
      %dma_start3A_274 = tpu.memref_slice %arg3[%mul3A_2, %dma_start3A_273] : memref<128x128xi32, #tpu.memory_space<hbm>> -> memref<4x128xi32, #tpu.memory_space<hbm>>
      tpu.enqueue_dma source(%dma_start3A_274 : memref<4x128xi32, #tpu.memory_space<hbm>>) target(%arg6 : memref<4x128xi32, #tpu.memory_space<vmem>>) target_semaphore(%run_scoped3A_271 : memref<!tpu.dma_semaphore, #tpu.memory_space<semaphore_mem>>)
      %dma_wait3A = arith.constant 0 : i32
      %dma_wait3A_275 = tpu.memref_slice %arg3[%mul3A_2, %dma_wait3A] : memref<128x128xi32, #tpu.memory_space<hbm>> -> memref<4x128xi32, #tpu.memory_space<hbm>>
      %dma_wait3A_276 = arith.constant 0 : i32
      %dma_wait3A_277 = tpu.memref_slice %arg3[%mul3A_2, %dma_wait3A_276] : memref<128x128xi32, #tpu.memory_space<hbm>> -> memref<4x128xi32, #tpu.memory_space<hbm>>
      tpu.wait_dma2 semaphore(%run_scoped3A_271 : memref<!tpu.dma_semaphore, #tpu.memory_space<semaphore_mem>>) src(%dma_wait3A_277 : memref<4x128xi32, #tpu.memory_space<hbm>>) dst(%arg6 : memref<4x128xi32, #tpu.memory_space<vmem>>)
      tpu.yield
    }) : () -> ()
    %barrier3A = arith.constant 0 : index
    tpu.barrier barrier_id(%barrier3A)
    %run_scoped3A = arith.constant 0 : i32
    "tpu.region"() ({
      %run_scoped3A_271 = tpu.sem_alloc : memref<!tpu.dma_semaphore, #tpu.memory_space<semaphore_mem>>
      %dma_start3A = arith.constant 0 : i32
      %dma_start3A_272 = tpu.memref_slice %arg6[%run_scoped3A, %dma_start3A] : memref<4x128xi32, #tpu.memory_space<vmem>> -> memref<1x128xi32, #tpu.memory_space<vmem>>
      %dma_start3A_273 = tpu.memref_squeeze %dma_start3A_272 : memref<1x128xi32, #tpu.memory_space<vmem>> -> memref<128xi32, #tpu.memory_space<vmem>>
      %dma_start3A_274 = arith.constant 0 : i32
      %dma_start3A_275 = arith.constant 0 : i32
      %dma_start3A_276 = tpu.memref_slice %arg2[%dma_start3A_274, %dma_start3A_275] : memref<8192x256xf32, #tpu.memory_space<hbm>> -> memref<8192x256xf32, #tpu.memory_space<hbm>>
      tpu.enqueue_indirect_dma source(%dma_start3A_276 : memref<8192x256xf32, #tpu.memory_space<hbm>>) target(%arg7 : memref<128x256xf32, #tpu.memory_space<vmem>>) offsets(%dma_start3A_273 : memref<128xi32, #tpu.memory_space<vmem>>) semaphore(%run_scoped3A_271 : memref<!tpu.dma_semaphore, #tpu.memory_space<semaphore_mem>>)
      %dma_wait3A = arith.constant 0 : i32
      %dma_wait3A_277 = tpu.memref_slice %arg6[%run_scoped3A, %dma_wait3A] : memref<4x128xi32, #tpu.memory_space<vmem>> -> memref<1x128xi32, #tpu.memory_space<vmem>>
      %dma_wait3A_278 = tpu.memref_squeeze %dma_wait3A_277 : memref<1x128xi32, #tpu.memory_space<vmem>> -> memref<128xi32, #tpu.memory_space<vmem>>
      %dma_wait3A_279 = arith.constant 0 : i32
      %dma_wait3A_280 = arith.constant 0 : i32
      %dma_wait3A_281 = tpu.memref_slice %arg2[%dma_wait3A_279, %dma_wait3A_280] : memref<8192x256xf32, #tpu.memory_space<hbm>> -> memref<8192x256xf32, #tpu.memory_space<hbm>>
      tpu.wait_indirect_dma semaphore(%run_scoped3A_271 : memref<!tpu.dma_semaphore, #tpu.memory_space<semaphore_mem>>) src(%dma_wait3A_281 : memref<8192x256xf32, #tpu.memory_space<hbm>>) dst(%arg7 : memref<128x256xf32, #tpu.memory_space<vmem>>)
      tpu.yield
    }) : () -> ()
    %add3A_243 = arith.constant 0 : i32
    %add3A_244 = arith.addi %mul3A_2, %add3A_243 : i32
    %mul3A_245 = arith.constant 128 : i32
    %mul3A_246 = arith.muli %add3A_244, %mul3A_245 : i32
    "tpu.region"() ({
      %run_scoped3A_271 = tpu.sem_alloc : memref<!tpu.dma_semaphore, #tpu.memory_space<semaphore_mem>>
      %dma_start3A = arith.constant 0 : i32
      %dma_start3A_272 = tpu.memref_slice %arg4[%mul3A_246, %dma_start3A] : memref<16384x256xf32, #tpu.memory_space<hbm>> -> memref<128x256xf32, #tpu.memory_space<hbm>>
      %dma_start3A_273 = arith.constant 0 : i32
      %dma_start3A_274 = tpu.memref_slice %arg4[%mul3A_246, %dma_start3A_273] : memref<16384x256xf32, #tpu.memory_space<hbm>> -> memref<128x256xf32, #tpu.memory_space<hbm>>
      tpu.enqueue_dma source(%arg7 : memref<128x256xf32, #tpu.memory_space<vmem>>) target(%dma_start3A_274 : memref<128x256xf32, #tpu.memory_space<hbm>>) target_semaphore(%run_scoped3A_271 : memref<!tpu.dma_semaphore, #tpu.memory_space<semaphore_mem>>)
      %dma_wait3A = arith.constant 0 : i32
      %dma_wait3A_275 = tpu.memref_slice %arg4[%mul3A_246, %dma_wait3A] : memref<16384x256xf32, #tpu.memory_space<hbm>> -> memref<128x256xf32, #tpu.memory_space<hbm>>
      %dma_wait3A_276 = arith.constant 0 : i32
      %dma_wait3A_277 = tpu.memref_slice %arg4[%mul3A_246, %dma_wait3A_276] : memref<16384x256xf32, #tpu.memory_space<hbm>> -> memref<128x256xf32, #tpu.memory_space<hbm>>
      tpu.wait_dma2 semaphore(%run_scoped3A_271 : memref<!tpu.dma_semaphore, #tpu.memory_space<semaphore_mem>>) src(%arg7 : memref<128x256xf32, #tpu.memory_space<vmem>>) dst(%dma_wait3A_277 : memref<128x256xf32, #tpu.memory_space<hbm>>)
      tpu.yield
    }) : () -> ()
    %run_scoped3A_247 = arith.constant 0 : i32
    "tpu.region"() ({
      %run_scoped3A_271 = tpu.sem_alloc : memref<!tpu.dma_semaphore, #tpu.memory_space<semaphore_mem>>
      %dma_start3A = arith.constant 0 : i32
      %dma_start3A_272 = tpu.memref_slice %arg6[%run_scoped3A_247, %dma_start3A] : memref<4x128xi32, #tpu.memory_space<vmem>> -> memref<1x128xi32, #tpu.memory_space<vmem>>
      %dma_start3A_273 = tpu.memref_squeeze %dma_start3A_272 : memref<1x128xi32, #tpu.memory_space<vmem>> -> memref<128xi32, #tpu.memory_space<vmem>>
      %dma_start3A_274 = arith.constant 0 : i32
      %dma_start3A_275 = tpu.memref_slice %arg10[%dma_start3A_274] : memref<8192xf32, #tpu.memory_space<vmem_shared>> -> memref<8192xf32, #tpu.memory_space<vmem_shared>>
      tpu.enqueue_indirect_dma source(%arg8 : memref<128xf32, #tpu.memory_space<vmem>>) target(%dma_start3A_275 : memref<8192xf32, #tpu.memory_space<vmem_shared>>) offsets(%dma_start3A_273 : memref<128xi32, #tpu.memory_space<vmem>>) semaphore(%run_scoped3A_271 : memref<!tpu.dma_semaphore, #tpu.memory_space<semaphore_mem>>) {add = true}
      %dma_wait3A = arith.constant 0 : i32
      %dma_wait3A_276 = tpu.memref_slice %arg6[%run_scoped3A_247, %dma_wait3A] : memref<4x128xi32, #tpu.memory_space<vmem>> -> memref<1x128xi32, #tpu.memory_space<vmem>>
      %dma_wait3A_277 = tpu.memref_squeeze %dma_wait3A_276 : memref<1x128xi32, #tpu.memory_space<vmem>> -> memref<128xi32, #tpu.memory_space<vmem>>
      %dma_wait3A_278 = arith.constant 0 : i32
      %dma_wait3A_279 = tpu.memref_slice %arg10[%dma_wait3A_278] : memref<8192xf32, #tpu.memory_space<vmem_shared>> -> memref<8192xf32, #tpu.memory_space<vmem_shared>>
      tpu.wait_indirect_dma semaphore(%run_scoped3A_271 : memref<!tpu.dma_semaphore, #tpu.memory_space<semaphore_mem>>) src(%arg8 : memref<128xf32, #tpu.memory_space<vmem>>) dst(%dma_wait3A_279 : memref<8192xf32, #tpu.memory_space<vmem_shared>>)
      tpu.yield
    }) : () -> ()
    %run_scoped3A_248 = arith.constant 1 : i32
    "tpu.region"() ({
      %run_scoped3A_271 = tpu.sem_alloc : memref<!tpu.dma_semaphore, #tpu.memory_space<semaphore_mem>>
      %dma_start3A = arith.constant 0 : i32
      %dma_start3A_272 = tpu.memref_slice %arg6[%run_scoped3A_248, %dma_start3A] : memref<4x128xi32, #tpu.memory_space<vmem>> -> memref<1x128xi32, #tpu.memory_space<vmem>>
      %dma_start3A_273 = tpu.memref_squeeze %dma_start3A_272 : memref<1x128xi32, #tpu.memory_space<vmem>> -> memref<128xi32, #tpu.memory_space<vmem>>
      %dma_start3A_274 = arith.constant 0 : i32
      %dma_start3A_275 = arith.constant 0 : i32
      %dma_start3A_276 = tpu.memref_slice %arg2[%dma_start3A_274, %dma_start3A_275] : memref<8192x256xf32, #tpu.memory_space<hbm>> -> memref<8192x256xf32, #tpu.memory_space<hbm>>
      tpu.enqueue_indirect_dma source(%dma_start3A_276 : memref<8192x256xf32, #tpu.memory_space<hbm>>) target(%arg7 : memref<128x256xf32, #tpu.memory_space<vmem>>) offsets(%dma_start3A_273 : memref<128xi32, #tpu.memory_space<vmem>>) semaphore(%run_scoped3A_271 : memref<!tpu.dma_semaphore, #tpu.memory_space<semaphore_mem>>)
      %dma_wait3A = arith.constant 0 : i32
      %dma_wait3A_277 = tpu.memref_slice %arg6[%run_scoped3A_248, %dma_wait3A] : memref<4x128xi32, #tpu.memory_space<vmem>> -> memref<1x128xi32, #tpu.memory_space<vmem>>
      %dma_wait3A_278 = tpu.memref_squeeze %dma_wait3A_277 : memref<1x128xi32, #tpu.memory_space<vmem>> -> memref<128xi32, #tpu.memory_space<vmem>>
      %dma_wait3A_279 = arith.constant 0 : i32
      %dma_wait3A_280 = arith.constant 0 : i32
      %dma_wait3A_281 = tpu.memref_slice %arg2[%dma_wait3A_279, %dma_wait3A_280] : memref<8192x256xf32, #tpu.memory_space<hbm>> -> memref<8192x256xf32, #tpu.memory_space<hbm>>
      tpu.wait_indirect_dma semaphore(%run_scoped3A_271 : memref<!tpu.dma_semaphore, #tpu.memory_space<semaphore_mem>>) src(%dma_wait3A_281 : memref<8192x256xf32, #tpu.memory_space<hbm>>) dst(%arg7 : memref<128x256xf32, #tpu.memory_space<vmem>>)
      tpu.yield
    }) : () -> ()
    %add3A_249 = arith.constant 1 : i32
    %add3A_250 = arith.addi %mul3A_2, %add3A_249 : i32
    %mul3A_251 = arith.constant 128 : i32
    %mul3A_252 = arith.muli %add3A_250, %mul3A_251 : i32
    "tpu.region"() ({
      %run_scoped3A_271 = tpu.sem_alloc : memref<!tpu.dma_semaphore, #tpu.memory_space<semaphore_mem>>
      %dma_start3A = arith.constant 0 : i32
      %dma_start3A_272 = tpu.memref_slice %arg4[%mul3A_252, %dma_start3A] : memref<16384x256xf32, #tpu.memory_space<hbm>> -> memref<128x256xf32, #tpu.memory_space<hbm>>
      %dma_start3A_273 = arith.constant 0 : i32
      %dma_start3A_274 = tpu.memref_slice %arg4[%mul3A_252, %dma_start3A_273] : memref<16384x256xf32, #tpu.memory_space<hbm>> -> memref<128x256xf32, #tpu.memory_space<hbm>>
      tpu.enqueue_dma source(%arg7 : memref<128x256xf32, #tpu.memory_space<vmem>>) target(%dma_start3A_274 : memref<128x256xf32, #tpu.memory_space<hbm>>) target_semaphore(%run_scoped3A_271 : memref<!tpu.dma_semaphore, #tpu.memory_space<semaphore_mem>>)
      %dma_wait3A = arith.constant 0 : i32
      %dma_wait3A_275 = tpu.memref_slice %arg4[%mul3A_252, %dma_wait3A] : memref<16384x256xf32, #tpu.memory_space<hbm>> -> memref<128x256xf32, #tpu.memory_space<hbm>>
      %dma_wait3A_276 = arith.constant 0 : i32
      %dma_wait3A_277 = tpu.memref_slice %arg4[%mul3A_252, %dma_wait3A_276] : memref<16384x256xf32, #tpu.memory_space<hbm>> -> memref<128x256xf32, #tpu.memory_space<hbm>>
      tpu.wait_dma2 semaphore(%run_scoped3A_271 : memref<!tpu.dma_semaphore, #tpu.memory_space<semaphore_mem>>) src(%arg7 : memref<128x256xf32, #tpu.memory_space<vmem>>) dst(%dma_wait3A_277 : memref<128x256xf32, #tpu.memory_space<hbm>>)
      tpu.yield
    }) : () -> ()
    %run_scoped3A_253 = arith.constant 1 : i32
    "tpu.region"() ({
      %run_scoped3A_271 = tpu.sem_alloc : memref<!tpu.dma_semaphore, #tpu.memory_space<semaphore_mem>>
      %dma_start3A = arith.constant 0 : i32
      %dma_start3A_272 = tpu.memref_slice %arg6[%run_scoped3A_253, %dma_start3A] : memref<4x128xi32, #tpu.memory_space<vmem>> -> memref<1x128xi32, #tpu.memory_space<vmem>>
      %dma_start3A_273 = tpu.memref_squeeze %dma_start3A_272 : memref<1x128xi32, #tpu.memory_space<vmem>> -> memref<128xi32, #tpu.memory_space<vmem>>
      %dma_start3A_274 = arith.constant 0 : i32
      %dma_start3A_275 = tpu.memref_slice %arg10[%dma_start3A_274] : memref<8192xf32, #tpu.memory_space<vmem_shared>> -> memref<8192xf32, #tpu.memory_space<vmem_shared>>
      tpu.enqueue_indirect_dma source(%arg8 : memref<128xf32, #tpu.memory_space<vmem>>) target(%dma_start3A_275 : memref<8192xf32, #tpu.memory_space<vmem_shared>>) offsets(%dma_start3A_273 : memref<128xi32, #tpu.memory_space<vmem>>) semaphore(%run_scoped3A_271 : memref<!tpu.dma_semaphore, #tpu.memory_space<semaphore_mem>>) {add = true}
      %dma_wait3A = arith.constant 0 : i32
      %dma_wait3A_276 = tpu.memref_slice %arg6[%run_scoped3A_253, %dma_wait3A] : memref<4x128xi32, #tpu.memory_space<vmem>> -> memref<1x128xi32, #tpu.memory_space<vmem>>
      %dma_wait3A_277 = tpu.memref_squeeze %dma_wait3A_276 : memref<1x128xi32, #tpu.memory_space<vmem>> -> memref<128xi32, #tpu.memory_space<vmem>>
      %dma_wait3A_278 = arith.constant 0 : i32
      %dma_wait3A_279 = tpu.memref_slice %arg10[%dma_wait3A_278] : memref<8192xf32, #tpu.memory_space<vmem_shared>> -> memref<8192xf32, #tpu.memory_space<vmem_shared>>
      tpu.wait_indirect_dma semaphore(%run_scoped3A_271 : memref<!tpu.dma_semaphore, #tpu.memory_space<semaphore_mem>>) src(%arg8 : memref<128xf32, #tpu.memory_space<vmem>>) dst(%dma_wait3A_279 : memref<8192xf32, #tpu.memory_space<vmem_shared>>)
      tpu.yield
    }) : () -> ()
    %run_scoped3A_254 = arith.constant 2 : i32
    "tpu.region"() ({
      %run_scoped3A_271 = tpu.sem_alloc : memref<!tpu.dma_semaphore, #tpu.memory_space<semaphore_mem>>
      %dma_start3A = arith.constant 0 : i32
      %dma_start3A_272 = tpu.memref_slice %arg6[%run_scoped3A_254, %dma_start3A] : memref<4x128xi32, #tpu.memory_space<vmem>> -> memref<1x128xi32, #tpu.memory_space<vmem>>
      %dma_start3A_273 = tpu.memref_squeeze %dma_start3A_272 : memref<1x128xi32, #tpu.memory_space<vmem>> -> memref<128xi32, #tpu.memory_space<vmem>>
      %dma_start3A_274 = arith.constant 0 : i32
      %dma_start3A_275 = arith.constant 0 : i32
      %dma_start3A_276 = tpu.memref_slice %arg2[%dma_start3A_274, %dma_start3A_275] : memref<8192x256xf32, #tpu.memory_space<hbm>> -> memref<8192x256xf32, #tpu.memory_space<hbm>>
      tpu.enqueue_indirect_dma source(%dma_start3A_276 : memref<8192x256xf32, #tpu.memory_space<hbm>>) target(%arg7 : memref<128x256xf32, #tpu.memory_space<vmem>>) offsets(%dma_start3A_273 : memref<128xi32, #tpu.memory_space<vmem>>) semaphore(%run_scoped3A_271 : memref<!tpu.dma_semaphore, #tpu.memory_space<semaphore_mem>>)
      %dma_wait3A = arith.constant 0 : i32
      %dma_wait3A_277 = tpu.memref_slice %arg6[%run_scoped3A_254, %dma_wait3A] : memref<4x128xi32, #tpu.memory_space<vmem>> -> memref<1x128xi32, #tpu.memory_space<vmem>>
      %dma_wait3A_278 = tpu.memref_squeeze %dma_wait3A_277 : memref<1x128xi32, #tpu.memory_space<vmem>> -> memref<128xi32, #tpu.memory_space<vmem>>
      %dma_wait3A_279 = arith.constant 0 : i32
      %dma_wait3A_280 = arith.constant 0 : i32
      %dma_wait3A_281 = tpu.memref_slice %arg2[%dma_wait3A_279, %dma_wait3A_280] : memref<8192x256xf32, #tpu.memory_space<hbm>> -> memref<8192x256xf32, #tpu.memory_space<hbm>>
      tpu.wait_indirect_dma semaphore(%run_scoped3A_271 : memref<!tpu.dma_semaphore, #tpu.memory_space<semaphore_mem>>) src(%dma_wait3A_281 : memref<8192x256xf32, #tpu.memory_space<hbm>>) dst(%arg7 : memref<128x256xf32, #tpu.memory_space<vmem>>)
      tpu.yield
    }) : () -> ()
    %add3A_255 = arith.constant 2 : i32
    %add3A_256 = arith.addi %mul3A_2, %add3A_255 : i32
    %mul3A_257 = arith.constant 128 : i32
    %mul3A_258 = arith.muli %add3A_256, %mul3A_257 : i32
    "tpu.region"() ({
      %run_scoped3A_271 = tpu.sem_alloc : memref<!tpu.dma_semaphore, #tpu.memory_space<semaphore_mem>>
      %dma_start3A = arith.constant 0 : i32
      %dma_start3A_272 = tpu.memref_slice %arg4[%mul3A_258, %dma_start3A] : memref<16384x256xf32, #tpu.memory_space<hbm>> -> memref<128x256xf32, #tpu.memory_space<hbm>>
      %dma_start3A_273 = arith.constant 0 : i32
      %dma_start3A_274 = tpu.memref_slice %arg4[%mul3A_258, %dma_start3A_273] : memref<16384x256xf32, #tpu.memory_space<hbm>> -> memref<128x256xf32, #tpu.memory_space<hbm>>
      tpu.enqueue_dma source(%arg7 : memref<128x256xf32, #tpu.memory_space<vmem>>) target(%dma_start3A_274 : memref<128x256xf32, #tpu.memory_space<hbm>>) target_semaphore(%run_scoped3A_271 : memref<!tpu.dma_semaphore, #tpu.memory_space<semaphore_mem>>)
      %dma_wait3A = arith.constant 0 : i32
      %dma_wait3A_275 = tpu.memref_slice %arg4[%mul3A_258, %dma_wait3A] : memref<16384x256xf32, #tpu.memory_space<hbm>> -> memref<128x256xf32, #tpu.memory_space<hbm>>
      %dma_wait3A_276 = arith.constant 0 : i32
      %dma_wait3A_277 = tpu.memref_slice %arg4[%mul3A_258, %dma_wait3A_276] : memref<16384x256xf32, #tpu.memory_space<hbm>> -> memref<128x256xf32, #tpu.memory_space<hbm>>
      tpu.wait_dma2 semaphore(%run_scoped3A_271 : memref<!tpu.dma_semaphore, #tpu.memory_space<semaphore_mem>>) src(%arg7 : memref<128x256xf32, #tpu.memory_space<vmem>>) dst(%dma_wait3A_277 : memref<128x256xf32, #tpu.memory_space<hbm>>)
      tpu.yield
    }) : () -> ()
    %run_scoped3A_259 = arith.constant 2 : i32
    "tpu.region"() ({
      %run_scoped3A_271 = tpu.sem_alloc : memref<!tpu.dma_semaphore, #tpu.memory_space<semaphore_mem>>
      %dma_start3A = arith.constant 0 : i32
      %dma_start3A_272 = tpu.memref_slice %arg6[%run_scoped3A_259, %dma_start3A] : memref<4x128xi32, #tpu.memory_space<vmem>> -> memref<1x128xi32, #tpu.memory_space<vmem>>
      %dma_start3A_273 = tpu.memref_squeeze %dma_start3A_272 : memref<1x128xi32, #tpu.memory_space<vmem>> -> memref<128xi32, #tpu.memory_space<vmem>>
      %dma_start3A_274 = arith.constant 0 : i32
      %dma_start3A_275 = tpu.memref_slice %arg10[%dma_start3A_274] : memref<8192xf32, #tpu.memory_space<vmem_shared>> -> memref<8192xf32, #tpu.memory_space<vmem_shared>>
      tpu.enqueue_indirect_dma source(%arg8 : memref<128xf32, #tpu.memory_space<vmem>>) target(%dma_start3A_275 : memref<8192xf32, #tpu.memory_space<vmem_shared>>) offsets(%dma_start3A_273 : memref<128xi32, #tpu.memory_space<vmem>>) semaphore(%run_scoped3A_271 : memref<!tpu.dma_semaphore, #tpu.memory_space<semaphore_mem>>) {add = true}
      %dma_wait3A = arith.constant 0 : i32
      %dma_wait3A_276 = tpu.memref_slice %arg6[%run_scoped3A_259, %dma_wait3A] : memref<4x128xi32, #tpu.memory_space<vmem>> -> memref<1x128xi32, #tpu.memory_space<vmem>>
      %dma_wait3A_277 = tpu.memref_squeeze %dma_wait3A_276 : memref<1x128xi32, #tpu.memory_space<vmem>> -> memref<128xi32, #tpu.memory_space<vmem>>
      %dma_wait3A_278 = arith.constant 0 : i32
      %dma_wait3A_279 = tpu.memref_slice %arg10[%dma_wait3A_278] : memref<8192xf32, #tpu.memory_space<vmem_shared>> -> memref<8192xf32, #tpu.memory_space<vmem_shared>>
      tpu.wait_indirect_dma semaphore(%run_scoped3A_271 : memref<!tpu.dma_semaphore, #tpu.memory_space<semaphore_mem>>) src(%arg8 : memref<128xf32, #tpu.memory_space<vmem>>) dst(%dma_wait3A_279 : memref<8192xf32, #tpu.memory_space<vmem_shared>>)
      tpu.yield
    }) : () -> ()
    %run_scoped3A_260 = arith.constant 3 : i32
    "tpu.region"() ({
      %run_scoped3A_271 = tpu.sem_alloc : memref<!tpu.dma_semaphore, #tpu.memory_space<semaphore_mem>>
      %dma_start3A = arith.constant 0 : i32
      %dma_start3A_272 = tpu.memref_slice %arg6[%run_scoped3A_260, %dma_start3A] : memref<4x128xi32, #tpu.memory_space<vmem>> -> memref<1x128xi32, #tpu.memory_space<vmem>>
      %dma_start3A_273 = tpu.memref_squeeze %dma_start3A_272 : memref<1x128xi32, #tpu.memory_space<vmem>> -> memref<128xi32, #tpu.memory_space<vmem>>
      %dma_start3A_274 = arith.constant 0 : i32
      %dma_start3A_275 = arith.constant 0 : i32
      %dma_start3A_276 = tpu.memref_slice %arg2[%dma_start3A_274, %dma_start3A_275] : memref<8192x256xf32, #tpu.memory_space<hbm>> -> memref<8192x256xf32, #tpu.memory_space<hbm>>
      tpu.enqueue_indirect_dma source(%dma_start3A_276 : memref<8192x256xf32, #tpu.memory_space<hbm>>) target(%arg7 : memref<128x256xf32, #tpu.memory_space<vmem>>) offsets(%dma_start3A_273 : memref<128xi32, #tpu.memory_space<vmem>>) semaphore(%run_scoped3A_271 : memref<!tpu.dma_semaphore, #tpu.memory_space<semaphore_mem>>)
      %dma_wait3A = arith.constant 0 : i32
      %dma_wait3A_277 = tpu.memref_slice %arg6[%run_scoped3A_260, %dma_wait3A] : memref<4x128xi32, #tpu.memory_space<vmem>> -> memref<1x128xi32, #tpu.memory_space<vmem>>
      %dma_wait3A_278 = tpu.memref_squeeze %dma_wait3A_277 : memref<1x128xi32, #tpu.memory_space<vmem>> -> memref<128xi32, #tpu.memory_space<vmem>>
      %dma_wait3A_279 = arith.constant 0 : i32
      %dma_wait3A_280 = arith.constant 0 : i32
      %dma_wait3A_281 = tpu.memref_slice %arg2[%dma_wait3A_279, %dma_wait3A_280] : memref<8192x256xf32, #tpu.memory_space<hbm>> -> memref<8192x256xf32, #tpu.memory_space<hbm>>
      tpu.wait_indirect_dma semaphore(%run_scoped3A_271 : memref<!tpu.dma_semaphore, #tpu.memory_space<semaphore_mem>>) src(%dma_wait3A_281 : memref<8192x256xf32, #tpu.memory_space<hbm>>) dst(%arg7 : memref<128x256xf32, #tpu.memory_space<vmem>>)
      tpu.yield
    }) : () -> ()
    %add3A_261 = arith.constant 3 : i32
    %add3A_262 = arith.addi %mul3A_2, %add3A_261 : i32
    %mul3A_263 = arith.constant 128 : i32
    %mul3A_264 = arith.muli %add3A_262, %mul3A_263 : i32
    "tpu.region"() ({
      %run_scoped3A_271 = tpu.sem_alloc : memref<!tpu.dma_semaphore, #tpu.memory_space<semaphore_mem>>
      %dma_start3A = arith.constant 0 : i32
      %dma_start3A_272 = tpu.memref_slice %arg4[%mul3A_264, %dma_start3A] : memref<16384x256xf32, #tpu.memory_space<hbm>> -> memref<128x256xf32, #tpu.memory_space<hbm>>
      %dma_start3A_273 = arith.constant 0 : i32
      %dma_start3A_274 = tpu.memref_slice %arg4[%mul3A_264, %dma_start3A_273] : memref<16384x256xf32, #tpu.memory_space<hbm>> -> memref<128x256xf32, #tpu.memory_space<hbm>>
      tpu.enqueue_dma source(%arg7 : memref<128x256xf32, #tpu.memory_space<vmem>>) target(%dma_start3A_274 : memref<128x256xf32, #tpu.memory_space<hbm>>) target_semaphore(%run_scoped3A_271 : memref<!tpu.dma_semaphore, #tpu.memory_space<semaphore_mem>>)
      %dma_wait3A = arith.constant 0 : i32
      %dma_wait3A_275 = tpu.memref_slice %arg4[%mul3A_264, %dma_wait3A] : memref<16384x256xf32, #tpu.memory_space<hbm>> -> memref<128x256xf32, #tpu.memory_space<hbm>>
      %dma_wait3A_276 = arith.constant 0 : i32
      %dma_wait3A_277 = tpu.memref_slice %arg4[%mul3A_264, %dma_wait3A_276] : memref<16384x256xf32, #tpu.memory_space<hbm>> -> memref<128x256xf32, #tpu.memory_space<hbm>>
      tpu.wait_dma2 semaphore(%run_scoped3A_271 : memref<!tpu.dma_semaphore, #tpu.memory_space<semaphore_mem>>) src(%arg7 : memref<128x256xf32, #tpu.memory_space<vmem>>) dst(%dma_wait3A_277 : memref<128x256xf32, #tpu.memory_space<hbm>>)
      tpu.yield
    }) : () -> ()
    %run_scoped3A_265 = arith.constant 3 : i32
    "tpu.region"() ({
      %run_scoped3A_271 = tpu.sem_alloc : memref<!tpu.dma_semaphore, #tpu.memory_space<semaphore_mem>>
      %dma_start3A = arith.constant 0 : i32
      %dma_start3A_272 = tpu.memref_slice %arg6[%run_scoped3A_265, %dma_start3A] : memref<4x128xi32, #tpu.memory_space<vmem>> -> memref<1x128xi32, #tpu.memory_space<vmem>>
      %dma_start3A_273 = tpu.memref_squeeze %dma_start3A_272 : memref<1x128xi32, #tpu.memory_space<vmem>> -> memref<128xi32, #tpu.memory_space<vmem>>
      %dma_start3A_274 = arith.constant 0 : i32
      %dma_start3A_275 = tpu.memref_slice %arg10[%dma_start3A_274] : memref<8192xf32, #tpu.memory_space<vmem_shared>> -> memref<8192xf32, #tpu.memory_space<vmem_shared>>
      tpu.enqueue_indirect_dma source(%arg8 : memref<128xf32, #tpu.memory_space<vmem>>) target(%dma_start3A_275 : memref<8192xf32, #tpu.memory_space<vmem_shared>>) offsets(%dma_start3A_273 : memref<128xi32, #tpu.memory_space<vmem>>) semaphore(%run_scoped3A_271 : memref<!tpu.dma_semaphore, #tpu.memory_space<semaphore_mem>>) {add = true}
      %dma_wait3A = arith.constant 0 : i32
      %dma_wait3A_276 = tpu.memref_slice %arg6[%run_scoped3A_265, %dma_wait3A] : memref<4x128xi32, #tpu.memory_space<vmem>> -> memref<1x128xi32, #tpu.memory_space<vmem>>
      %dma_wait3A_277 = tpu.memref_squeeze %dma_wait3A_276 : memref<1x128xi32, #tpu.memory_space<vmem>> -> memref<128xi32, #tpu.memory_space<vmem>>
      %dma_wait3A_278 = arith.constant 0 : i32
      %dma_wait3A_279 = tpu.memref_slice %arg10[%dma_wait3A_278] : memref<8192xf32, #tpu.memory_space<vmem_shared>> -> memref<8192xf32, #tpu.memory_space<vmem_shared>>
      tpu.wait_indirect_dma semaphore(%run_scoped3A_271 : memref<!tpu.dma_semaphore, #tpu.memory_space<semaphore_mem>>) src(%arg8 : memref<128xf32, #tpu.memory_space<vmem>>) dst(%dma_wait3A_279 : memref<8192xf32, #tpu.memory_space<vmem_shared>>)
      tpu.yield
    }) : () -> ()
    %barrier3A_266 = arith.constant 0 : index
    tpu.barrier barrier_id(%barrier3A_266)
    %mul3A_267 = arith.constant 512 : i32
    %mul3A_268 = arith.muli %arg1, %mul3A_267 : i32
    "tpu.region"() ({
      %run_scoped3A_271 = tpu.sem_alloc : memref<!tpu.dma_semaphore, #tpu.memory_space<semaphore_mem>>
      %dma_start3A = tpu.memref_slice %arg10[%mul3A_268] : memref<8192xf32, #tpu.memory_space<vmem_shared>> -> memref<512xf32, #tpu.memory_space<vmem_shared>>
      %dma_start3A_272 = tpu.memref_slice %arg10[%mul3A_268] : memref<8192xf32, #tpu.memory_space<vmem_shared>> -> memref<512xf32, #tpu.memory_space<vmem_shared>>
      tpu.enqueue_dma source(%dma_start3A_272 : memref<512xf32, #tpu.memory_space<vmem_shared>>) target(%arg9 : memref<512xf32, #tpu.memory_space<vmem>>) target_semaphore(%run_scoped3A_271 : memref<!tpu.dma_semaphore, #tpu.memory_space<semaphore_mem>>)
      %dma_wait3A = tpu.memref_slice %arg10[%mul3A_268] : memref<8192xf32, #tpu.memory_space<vmem_shared>> -> memref<512xf32, #tpu.memory_space<vmem_shared>>
      %dma_wait3A_273 = tpu.memref_slice %arg10[%mul3A_268] : memref<8192xf32, #tpu.memory_space<vmem_shared>> -> memref<512xf32, #tpu.memory_space<vmem_shared>>
      tpu.wait_dma2 semaphore(%run_scoped3A_271 : memref<!tpu.dma_semaphore, #tpu.memory_space<semaphore_mem>>) src(%dma_wait3A_273 : memref<512xf32, #tpu.memory_space<vmem_shared>>) dst(%arg9 : memref<512xf32, #tpu.memory_space<vmem>>)
      tpu.yield
    }) : () -> ()
    %mul3A_269 = arith.constant 512 : i32
    %mul3A_270 = arith.muli %arg1, %mul3A_269 : i32
    "tpu.region"() ({
      %run_scoped3A_271 = tpu.sem_alloc : memref<!tpu.dma_semaphore, #tpu.memory_space<semaphore_mem>>
      %dma_start3A = tpu.memref_slice %arg5[%arg0, %mul3A_270] : memref<2x8192xf32, #tpu.memory_space<hbm>> -> memref<1x512xf32, #tpu.memory_space<hbm>>
      %dma_start3A_272 = tpu.memref_squeeze %dma_start3A : memref<1x512xf32, #tpu.memory_space<hbm>> -> memref<512xf32, #tpu.memory_space<hbm>>
      %dma_start3A_273 = tpu.memref_slice %arg5[%arg0, %mul3A_270] : memref<2x8192xf32, #tpu.memory_space<hbm>> -> memref<1x512xf32, #tpu.memory_space<hbm>>
      %dma_start3A_274 = tpu.memref_squeeze %dma_start3A_273 : memref<1x512xf32, #tpu.memory_space<hbm>> -> memref<512xf32, #tpu.memory_space<hbm>>
      tpu.enqueue_dma source(%arg9 : memref<512xf32, #tpu.memory_space<vmem>>) target(%dma_start3A_274 : memref<512xf32, #tpu.memory_space<hbm>>) target_semaphore(%run_scoped3A_271 : memref<!tpu.dma_semaphore, #tpu.memory_space<semaphore_mem>>)
      %dma_wait3A = tpu.memref_slice %arg5[%arg0, %mul3A_270] : memref<2x8192xf32, #tpu.memory_space<hbm>> -> memref<1x512xf32, #tpu.memory_space<hbm>>
      %dma_wait3A_275 = tpu.memref_squeeze %dma_wait3A : memref<1x512xf32, #tpu.memory_space<hbm>> -> memref<512xf32, #tpu.memory_space<hbm>>
      %dma_wait3A_276 = tpu.memref_slice %arg5[%arg0, %mul3A_270] : memref<2x8192xf32, #tpu.memory_space<hbm>> -> memref<1x512xf32, #tpu.memory_space<hbm>>
      %dma_wait3A_277 = tpu.memref_squeeze %dma_wait3A_276 : memref<1x512xf32, #tpu.memory_space<hbm>> -> memref<512xf32, #tpu.memory_space<hbm>>
      tpu.wait_dma2 semaphore(%run_scoped3A_271 : memref<!tpu.dma_semaphore, #tpu.memory_space<semaphore_mem>>) src(%arg9 : memref<512xf32, #tpu.memory_space<vmem>>) dst(%dma_wait3A_277 : memref<512xf32, #tpu.memory_space<hbm>>)
      tpu.yield
    }) : () -> ()
    return
  }
}

module attributes {stable_mosaic.version = 14 : i64} {
  func.func @_argmin_body(%arg0: i32, %arg1: memref<512x256xf32, #tpu.memory_space<vmem>>, %arg2: memref<256x8192xf32, #tpu.memory_space<vmem>>, %arg3: memref<1x8192xf32, #tpu.memory_space<vmem>>, %arg4: memref<512x1xi32, #tpu.memory_space<vmem>>) attributes {dimension_semantics = [#tpu.dimension_semantics<arbitrary>], iteration_bounds = array<i64: 32>, scalar_prefetch = 0 : i64, scratch_operands = 0 : i64, tpu.core_type = #tpu.core_type<tc>, window_params = [{transform_indices = @transform_0, window_bounds = array<i64: 512, 256>}, {pipeline_mode = #tpu.pipeline_mode<synchronous>, transform_indices = @transform_1, window_bounds = array<i64: 256, 8192>}, {pipeline_mode = #tpu.pipeline_mode<synchronous>, transform_indices = @transform_2, window_bounds = array<i64: 1, 8192>}, {transform_indices = @transform_3, window_bounds = array<i64: 512, 1>}]} {
    %get3A = arith.constant 0 : index
    %get3A_0 = arith.constant 0 : index
    %get3A_1 = vector.load %arg1[%get3A, %get3A_0] : memref<512x256xf32, #tpu.memory_space<vmem>>, vector<512x256xf32>
    %mul3A = arith.mulf %get3A_1, %get3A_1 : vector<512x256xf32>
    %reduce_sum3A = arith.constant dense<0.000000e+00> : vector<512xf32>
    %reduce_sum3A_2 = vector.multi_reduction <add>, %mul3A, %reduce_sum3A [1] : vector<512x256xf32> to vector<512xf32>
    %broadcast_in_dim3A = vector.shape_cast %reduce_sum3A_2 : vector<512xf32> to vector<512x1xf32>
    %sqrt3A = math.sqrt %broadcast_in_dim3A : vector<512x1xf32>
    %max3A = arith.constant 9.99999996E-13 : f32
    %max3A_3 = vector.broadcast %max3A : f32 to vector<512x1xf32>
    %max3A_4 = arith.maximumf %sqrt3A, %max3A_3 : vector<512x1xf32>
    %div3A = vector.broadcast %max3A_4 : vector<512x1xf32> to vector<512x256xf32>
    %div3A_5 = arith.divf %get3A_1, %div3A : vector<512x256xf32>
    %mul3A_6 = arith.mulf %div3A_5, %div3A_5 : vector<512x256xf32>
    %reduce_sum3A_7 = arith.constant dense<0.000000e+00> : vector<512xf32>
    %reduce_sum3A_8 = vector.multi_reduction <add>, %mul3A_6, %reduce_sum3A_7 [1] : vector<512x256xf32> to vector<512xf32>
    %broadcast_in_dim3A_9 = vector.shape_cast %reduce_sum3A_8 : vector<512xf32> to vector<512x1xf32>
    %get3A_10 = arith.constant 0 : index
    %get3A_11 = arith.constant 0 : index
    %get3A_12 = vector.load %arg2[%get3A_10, %get3A_11] : memref<256x8192xf32, #tpu.memory_space<vmem>>, vector<256x8192xf32>
    %dot_general3A = arith.constant dense<0.000000e+00> : vector<512x8192xf32>
    %dot_general3A_13 = tpu.matmul %div3A_5, %get3A_12, %dot_general3A {dimension_numbers = #tpu.dot_dimension_numbers<[1], [0], [0], [1], [0, 0, 1, 1], [], []>, transpose_lhs_hint = false} : vector<512x256xf32>, vector<256x8192xf32>, vector<512x8192xf32> -> vector<512x8192xf32>
    %get3A_14 = arith.constant 0 : index
    %get3A_15 = arith.constant 0 : index
    %get3A_16 = vector.load %arg3[%get3A_14, %get3A_15] : memref<1x8192xf32, #tpu.memory_space<vmem>>, vector<1x8192xf32>
    %add3A = vector.broadcast %broadcast_in_dim3A_9 : vector<512x1xf32> to vector<512x8192xf32>
    %add3A_17 = vector.broadcast %get3A_16 : vector<1x8192xf32> to vector<512x8192xf32>
    %add3A_18 = arith.addf %add3A, %add3A_17 : vector<512x8192xf32>
    %mul3A_19 = arith.constant 2.000000e+00 : f32
    %mul3A_20 = vector.broadcast %mul3A_19 : f32 to vector<512x8192xf32>
    %mul3A_21 = arith.mulf %mul3A_20, %dot_general3A_13 : vector<512x8192xf32>
    %sub3A = arith.subf %add3A_18, %mul3A_21 : vector<512x8192xf32>
    %slice3A = vector.extract_strided_slice %sub3A {offsets = [0, 0], sizes = [512, 4096], strides = [1, 1]} : vector<512x8192xf32> to vector<512x4096xf32>
    %reduce_min3A = arith.constant dense<0x7F800000> : vector<512xf32>
    %reduce_min3A_22 = vector.multi_reduction <minimumf>, %slice3A, %reduce_min3A [1] : vector<512x4096xf32> to vector<512xf32>
    %broadcast_in_dim3A_23 = vector.shape_cast %reduce_min3A_22 : vector<512xf32> to vector<512x1xf32>
    %iota3A = tpu.iota {dimensions = array<i32: 1>} : vector<512x4096xi32>
    %eq3A = vector.broadcast %broadcast_in_dim3A_23 : vector<512x1xf32> to vector<512x4096xf32>
    %eq3A_24 = arith.cmpf oeq, %slice3A, %eq3A : vector<512x4096xf32>
    %jit3A = arith.constant 4096 : i32
    %broadcast_in_dim3A_25 = vector.broadcast %jit3A : i32 to vector<512x4096xi32>
    %select_n3A = arith.select %eq3A_24, %iota3A, %broadcast_in_dim3A_25 : vector<512x4096xi1>, vector<512x4096xi32>
    %reduce_min3A_26 = arith.constant dense<2147483647> : vector<512xi32>
    %reduce_min3A_27 = vector.multi_reduction <minsi>, %select_n3A, %reduce_min3A_26 [1] : vector<512x4096xi32> to vector<512xi32>
    %broadcast_in_dim3A_28 = vector.shape_cast %reduce_min3A_27 : vector<512xi32> to vector<512x1xi32>
    %add3A_29 = arith.constant 0 : i32
    %add3A_30 = vector.broadcast %add3A_29 : i32 to vector<512x1xi32>
    %add3A_31 = arith.addi %broadcast_in_dim3A_28, %add3A_30 : vector<512x1xi32>
    %convert_element_type3A = arith.truncf %broadcast_in_dim3A_23 : vector<512x1xf32> to vector<512x1xbf16>
    %slice3A_32 = vector.extract_strided_slice %sub3A {offsets = [0, 4096], sizes = [512, 4096], strides = [1, 1]} : vector<512x8192xf32> to vector<512x4096xf32>
    %reduce_min3A_33 = arith.constant dense<0x7F800000> : vector<512xf32>
    %reduce_min3A_34 = vector.multi_reduction <minimumf>, %slice3A_32, %reduce_min3A_33 [1] : vector<512x4096xf32> to vector<512xf32>
    %broadcast_in_dim3A_35 = vector.shape_cast %reduce_min3A_34 : vector<512xf32> to vector<512x1xf32>
    %iota3A_36 = tpu.iota {dimensions = array<i32: 1>} : vector<512x4096xi32>
    %eq3A_37 = vector.broadcast %broadcast_in_dim3A_35 : vector<512x1xf32> to vector<512x4096xf32>
    %eq3A_38 = arith.cmpf oeq, %slice3A_32, %eq3A_37 : vector<512x4096xf32>
    %jit3A_39 = arith.constant 4096 : i32
    %broadcast_in_dim3A_40 = vector.broadcast %jit3A_39 : i32 to vector<512x4096xi32>
    %select_n3A_41 = arith.select %eq3A_38, %iota3A_36, %broadcast_in_dim3A_40 : vector<512x4096xi1>, vector<512x4096xi32>
    %reduce_min3A_42 = arith.constant dense<2147483647> : vector<512xi32>
    %reduce_min3A_43 = vector.multi_reduction <minsi>, %select_n3A_41, %reduce_min3A_42 [1] : vector<512x4096xi32> to vector<512xi32>
    %broadcast_in_dim3A_44 = vector.shape_cast %reduce_min3A_43 : vector<512xi32> to vector<512x1xi32>
    %add3A_45 = arith.constant 4096 : i32
    %add3A_46 = vector.broadcast %add3A_45 : i32 to vector<512x1xi32>
    %add3A_47 = arith.addi %broadcast_in_dim3A_44, %add3A_46 : vector<512x1xi32>
    %convert_element_type3A_48 = arith.extf %convert_element_type3A : vector<512x1xbf16> to vector<512x1xf32>
    %lt3A = arith.cmpf olt, %broadcast_in_dim3A_35, %convert_element_type3A_48 : vector<512x1xf32>
    %select_n3A_49 = arith.select %lt3A, %add3A_47, %add3A_31 : vector<512x1xi1>, vector<512x1xi32>
    %swap3A = arith.constant 0 : index
    %swap3A_50 = arith.constant 0 : index
    %swap3A_51 = vector.load %arg4[%swap3A, %swap3A_50] : memref<512x1xi32, #tpu.memory_space<vmem>>, vector<512x1xi32>
    tpu.vector_store %arg4[%swap3A, %swap3A_50], %select_n3A_49 {strides = array<i32>} : memref<512x1xi32, #tpu.memory_space<vmem>>, vector<512x1xi32>,
    return
  }
  func.func @transform_0(%arg0: i32) -> (i32, i32) {
    %c0_i32 = arith.constant 0 : i32
    %c0_i32_0 = arith.constant 0 : i32
    return %arg0, %c0_i32 : i32, i32
  }
  func.func @transform_1(%arg0: i32) -> (i32, i32) {
    %c0_i32 = arith.constant 0 : i32
    %c0_i32_0 = arith.constant 0 : i32
    %c0_i32_1 = arith.constant 0 : i32
    return %c0_i32, %c0_i32_0 : i32, i32
  }
  func.func @transform_2(%arg0: i32) -> (i32, i32) {
    %c0_i32 = arith.constant 0 : i32
    %c0_i32_0 = arith.constant 0 : i32
    %c0_i32_1 = arith.constant 0 : i32
    return %c0_i32, %c0_i32_0 : i32, i32
  }
  func.func @transform_3(%arg0: i32) -> (i32, i32) {
    %c0_i32 = arith.constant 0 : i32
    %c0_i32_0 = arith.constant 0 : i32
    return %arg0, %c0_i32 : i32, i32
  }
}

module attributes {stable_mosaic.version = 14 : i64} {
  func.func @_cbnorm_body(%arg0: i32, %arg1: memref<1024x256xf32, #tpu.memory_space<vmem>>, %arg2: memref<1024x256xf32, #tpu.memory_space<vmem>>, %arg3: memref<1x1024xf32, #tpu.memory_space<vmem>>) attributes {dimension_semantics = [#tpu.dimension_semantics<arbitrary>], iteration_bounds = array<i64: 8>, scalar_prefetch = 0 : i64, scratch_operands = 0 : i64, tpu.core_type = #tpu.core_type<tc>, window_params = [{transform_indices = @transform_0, window_bounds = array<i64: 1024, 256>}, {transform_indices = @transform_1, window_bounds = array<i64: 1024, 256>}, {transform_indices = @transform_2, window_bounds = array<i64: 1, 1024>}]} {
    %get3A = arith.constant 0 : index
    %get3A_0 = arith.constant 0 : index
    %get3A_1 = vector.load %arg1[%get3A, %get3A_0] : memref<1024x256xf32, #tpu.memory_space<vmem>>, vector<1024x256xf32>
    %mul3A = arith.mulf %get3A_1, %get3A_1 : vector<1024x256xf32>
    %reduce_sum3A = arith.constant dense<0.000000e+00> : vector<1024xf32>
    %reduce_sum3A_2 = vector.multi_reduction <add>, %mul3A, %reduce_sum3A [1] : vector<1024x256xf32> to vector<1024xf32>
    %broadcast_in_dim3A = vector.shape_cast %reduce_sum3A_2 : vector<1024xf32> to vector<1024x1xf32>
    %sqrt3A = math.sqrt %broadcast_in_dim3A : vector<1024x1xf32>
    %max3A = arith.constant 9.99999996E-13 : f32
    %max3A_3 = vector.broadcast %max3A : f32 to vector<1024x1xf32>
    %max3A_4 = arith.maximumf %sqrt3A, %max3A_3 : vector<1024x1xf32>
    %div3A = vector.broadcast %max3A_4 : vector<1024x1xf32> to vector<1024x256xf32>
    %div3A_5 = arith.divf %get3A_1, %div3A : vector<1024x256xf32>
    %swap3A = arith.constant 0 : index
    %swap3A_6 = arith.constant 0 : index
    %swap3A_7 = vector.load %arg2[%swap3A, %swap3A_6] : memref<1024x256xf32, #tpu.memory_space<vmem>>, vector<1024x256xf32>
    tpu.vector_store %arg2[%swap3A, %swap3A_6], %div3A_5 {strides = array<i32>} : memref<1024x256xf32, #tpu.memory_space<vmem>>, vector<1024x256xf32>,
    %mul3A_8 = arith.mulf %div3A_5, %div3A_5 : vector<1024x256xf32>
    %reduce_sum3A_9 = arith.constant dense<0.000000e+00> : vector<1024xf32>
    %reduce_sum3A_10 = vector.multi_reduction <add>, %mul3A_8, %reduce_sum3A_9 [1] : vector<1024x256xf32> to vector<1024xf32>
    %broadcast_in_dim3A_11 = vector.shape_cast %reduce_sum3A_10 : vector<1024xf32> to vector<1024x1xf32>
    %reshape3A = vector.shape_cast %broadcast_in_dim3A_11 : vector<1024x1xf32> to vector<1x1024xf32>
    %swap3A_12 = arith.constant 0 : index
    %swap3A_13 = arith.constant 0 : index
    %swap3A_14 = vector.load %arg3[%swap3A_12, %swap3A_13] : memref<1x1024xf32, #tpu.memory_space<vmem>>, vector<1x1024xf32>
    tpu.vector_store %arg3[%swap3A_12, %swap3A_13], %reshape3A {strides = array<i32>} : memref<1x1024xf32, #tpu.memory_space<vmem>>, vector<1x1024xf32>,
    return
  }
  func.func @transform_0(%arg0: i32) -> (i32, i32) {
    %c0_i32 = arith.constant 0 : i32
    %c0_i32_0 = arith.constant 0 : i32
    return %arg0, %c0_i32 : i32, i32
  }
  func.func @transform_1(%arg0: i32) -> (i32, i32) {
    %c0_i32 = arith.constant 0 : i32
    %c0_i32_0 = arith.constant 0 : i32
    return %arg0, %c0_i32 : i32, i32
  }
  func.func @transform_2(%arg0: i32) -> (i32, i32) {
    %c0_i32 = arith.constant 0 : i32
    %c0_i32_0 = arith.constant 0 : i32
    return %c0_i32, %arg0 : i32, i32
  }
}

module attributes {stable_mosaic.version = 14 : i64} {
  func.func @_final_body(%arg0: i32, %arg1: memref<2048x256xf32, #tpu.memory_space<vmem>>, %arg2: memref<2048x256xf32, #tpu.memory_space<vmem>>, %arg3: memref<2x8192xf32, #tpu.memory_space<vmem>>, %arg4: memref<2048x256xf32, #tpu.memory_space<vmem>>, %arg5: memref<1x1xf32, #tpu.memory_space<vmem>>, %arg6: memref<1x1xf32, #tpu.memory_space<vmem>>) attributes {dimension_semantics = [#tpu.dimension_semantics<arbitrary>], iteration_bounds = array<i64: 8>, scalar_prefetch = 0 : i64, scratch_operands = 0 : i64, tpu.core_type = #tpu.core_type<tc>, window_params = [{transform_indices = @transform_0, window_bounds = array<i64: 2048, 256>}, {transform_indices = @transform_1, window_bounds = array<i64: 2048, 256>}, {pipeline_mode = #tpu.pipeline_mode<synchronous>, transform_indices = @transform_2, window_bounds = array<i64: 2, 8192>}, {transform_indices = @transform_3, window_bounds = array<i64: 2048, 256>}, {pipeline_mode = #tpu.pipeline_mode<synchronous>, transform_indices = @transform_4, window_bounds = array<i64: 1, 1>}, {pipeline_mode = #tpu.pipeline_mode<synchronous>, transform_indices = @transform_5, window_bounds = array<i64: 1, 1>}]} {
    %get3A = arith.constant 0 : index
    %get3A_0 = arith.constant 0 : index
    %get3A_1 = vector.load %arg1[%get3A, %get3A_0] : memref<2048x256xf32, #tpu.memory_space<vmem>>, vector<2048x256xf32>
    %get3A_2 = arith.constant 0 : index
    %get3A_3 = arith.constant 0 : index
    %get3A_4 = vector.load %arg2[%get3A_2, %get3A_3] : memref<2048x256xf32, #tpu.memory_space<vmem>>, vector<2048x256xf32>
    %mul3A = arith.mulf %get3A_1, %get3A_1 : vector<2048x256xf32>
    %reduce_sum3A = arith.constant dense<0.000000e+00> : vector<2048xf32>
    %reduce_sum3A_5 = vector.multi_reduction <add>, %mul3A, %reduce_sum3A [1] : vector<2048x256xf32> to vector<2048xf32>
    %broadcast_in_dim3A = vector.shape_cast %reduce_sum3A_5 : vector<2048xf32> to vector<2048x1xf32>
    %sqrt3A = math.sqrt %broadcast_in_dim3A : vector<2048x1xf32>
    %max3A = arith.constant 9.99999996E-13 : f32
    %max3A_6 = vector.broadcast %max3A : f32 to vector<2048x1xf32>
    %max3A_7 = arith.maximumf %sqrt3A, %max3A_6 : vector<2048x1xf32>
    %div3A = vector.broadcast %max3A_7 : vector<2048x1xf32> to vector<2048x256xf32>
    %div3A_8 = arith.divf %get3A_1, %div3A : vector<2048x256xf32>
    %mul3A_9 = arith.mulf %get3A_4, %get3A_4 : vector<2048x256xf32>
    %reduce_sum3A_10 = arith.constant dense<0.000000e+00> : vector<2048xf32>
    %reduce_sum3A_11 = vector.multi_reduction <add>, %mul3A_9, %reduce_sum3A_10 [1] : vector<2048x256xf32> to vector<2048xf32>
    %broadcast_in_dim3A_12 = vector.shape_cast %reduce_sum3A_11 : vector<2048xf32> to vector<2048x1xf32>
    %sqrt3A_13 = math.sqrt %broadcast_in_dim3A_12 : vector<2048x1xf32>
    %max3A_14 = arith.constant 9.99999996E-13 : f32
    %max3A_15 = vector.broadcast %max3A_14 : f32 to vector<2048x1xf32>
    %max3A_16 = arith.maximumf %sqrt3A_13, %max3A_15 : vector<2048x1xf32>
    %div3A_17 = vector.broadcast %max3A_16 : vector<2048x1xf32> to vector<2048x256xf32>
    %div3A_18 = arith.divf %get3A_4, %div3A_17 : vector<2048x256xf32>
    %sub3A = arith.subf %get3A_4, %get3A_1 : vector<2048x256xf32>
    %add3A = arith.addf %get3A_1, %sub3A : vector<2048x256xf32>
    %mul3A_19 = arith.mulf %add3A, %add3A : vector<2048x256xf32>
    %reduce_sum3A_20 = arith.constant dense<0.000000e+00> : vector<2048xf32>
    %reduce_sum3A_21 = vector.multi_reduction <add>, %mul3A_19, %reduce_sum3A_20 [1] : vector<2048x256xf32> to vector<2048xf32>
    %broadcast_in_dim3A_22 = vector.shape_cast %reduce_sum3A_21 : vector<2048xf32> to vector<2048x1xf32>
    %sqrt3A_23 = math.sqrt %broadcast_in_dim3A_22 : vector<2048x1xf32>
    %max3A_24 = arith.constant 9.99999996E-13 : f32
    %max3A_25 = vector.broadcast %max3A_24 : f32 to vector<2048x1xf32>
    %max3A_26 = arith.maximumf %sqrt3A_23, %max3A_25 : vector<2048x1xf32>
    %div3A_27 = vector.broadcast %max3A_26 : vector<2048x1xf32> to vector<2048x256xf32>
    %div3A_28 = arith.divf %add3A, %div3A_27 : vector<2048x256xf32>
    %swap3A = arith.constant 0 : index
    %swap3A_29 = arith.constant 0 : index
    %swap3A_30 = vector.load %arg4[%swap3A, %swap3A_29] : memref<2048x256xf32, #tpu.memory_space<vmem>>, vector<2048x256xf32>
    tpu.vector_store %arg4[%swap3A, %swap3A_29], %div3A_28 {strides = array<i32>} : memref<2048x256xf32, #tpu.memory_space<vmem>>, vector<2048x256xf32>,
    %sub3A_31 = arith.subf %div3A_18, %div3A_8 : vector<2048x256xf32>
    %mul3A_32 = arith.mulf %sub3A_31, %sub3A_31 : vector<2048x256xf32>
    %reduce_sum3A_33 = arith.constant dense<0.000000e+00> : vector<2048xf32>
    %reduce_sum3A_34 = vector.multi_reduction <add>, %mul3A_32, %reduce_sum3A_33 [1] : vector<2048x256xf32> to vector<2048xf32>
    %broadcast_in_dim3A_35 = vector.shape_cast %reduce_sum3A_34 : vector<2048xf32> to vector<2048x1xf32>
    %reduce_sum3A_36 = arith.constant dense<0.000000e+00> : vector<1xf32>
    %reduce_sum3A_37 = vector.multi_reduction <add>, %broadcast_in_dim3A_35, %reduce_sum3A_36 [0] : vector<2048x1xf32> to vector<1xf32>
    %broadcast_in_dim3A_38 = vector.shape_cast %reduce_sum3A_37 : vector<1xf32> to vector<1x1xf32>
    %eq3A = arith.constant 0 : i32
    %eq3A_39 = arith.cmpi eq, %arg0, %eq3A : i32
    %convert_element_type3A = arith.extui %eq3A_39 : i1 to i32
    %cond3A = arith.constant 0 : i32
    %cond3A_40 = arith.cmpi ne, %convert_element_type3A, %cond3A : i32
    scf.if %cond3A_40 {
      %broadcast_in_dim3A_51 = arith.constant 0.000000e+00 : f32
      %broadcast_in_dim3A_52 = vector.broadcast %broadcast_in_dim3A_51 : f32 to vector<1x1xf32>
      %swap3A_53 = arith.constant 0 : index
      %swap3A_54 = arith.constant 0 : index
      %swap3A_55 = vector.load %arg5[%swap3A_53, %swap3A_54] : memref<1x1xf32, #tpu.memory_space<vmem>>, vector<1x1xf32>
      tpu.vector_store %arg5[%swap3A_53, %swap3A_54], %broadcast_in_dim3A_52 {strides = array<i32>} : memref<1x1xf32, #tpu.memory_space<vmem>>, vector<1x1xf32>,
      %get3A_56 = arith.constant 0 : index
      %get3A_57 = arith.constant 0 : index
      %get3A_58 = vector.load %arg3[%get3A_56, %get3A_57] : memref<2x8192xf32, #tpu.memory_space<vmem>>, vector<1x8192xf32>
      %get3A_59 = arith.constant 1 : index
      %get3A_60 = arith.constant 0 : index
      %get3A_61 = vector.load %arg3[%get3A_59, %get3A_60] : memref<2x8192xf32, #tpu.memory_space<vmem>>, vector<1x8192xf32>
      %add3A_62 = arith.addf %get3A_58, %get3A_61 : vector<1x8192xf32>
      %div3A_63 = arith.constant 1.638400e+04 : f32
      %div3A_64 = vector.broadcast %div3A_63 : f32 to vector<1x8192xf32>
      %div3A_65 = arith.divf %add3A_62, %div3A_64 : vector<1x8192xf32>
      %add3A_66 = arith.constant 1.000000e-10 : f32
      %add3A_67 = vector.broadcast %add3A_66 : f32 to vector<1x8192xf32>
      %add3A_68 = arith.addf %div3A_65, %add3A_67 : vector<1x8192xf32>
      %log3A = math.log %add3A_68 : vector<1x8192xf32>
      %mul3A_69 = arith.mulf %div3A_65, %log3A : vector<1x8192xf32>
      %reduce_sum3A_70 = arith.constant dense<0.000000e+00> : vector<1xf32>
      %reduce_sum3A_71 = vector.multi_reduction <add>, %mul3A_69, %reduce_sum3A_70 [1] : vector<1x8192xf32> to vector<1xf32>
      %broadcast_in_dim3A_72 = vector.shape_cast %reduce_sum3A_71 : vector<1xf32> to vector<1x1xf32>
      %neg3A = arith.constant 0.000000e+00 : f32
      %neg3A_73 = vector.broadcast %neg3A : f32 to vector<1x1xf32>
      %neg3A_74 = arith.subf %neg3A_73, %broadcast_in_dim3A_72 : vector<1x1xf32>
      %exp3A = math.exp %neg3A_74 : vector<1x1xf32>
      %swap3A_75 = arith.constant 0 : index
      %swap3A_76 = arith.constant 0 : index
      %swap3A_77 = vector.load %arg6[%swap3A_75, %swap3A_76] : memref<1x1xf32, #tpu.memory_space<vmem>>, vector<1x1xf32>
      tpu.vector_store %arg6[%swap3A_75, %swap3A_76], %exp3A {strides = array<i32>} : memref<1x1xf32, #tpu.memory_space<vmem>>, vector<1x1xf32>,
    } else {
    }
    %get3A_41 = arith.constant 0 : index
    %get3A_42 = arith.constant 0 : index
    %get3A_43 = vector.load %arg5[%get3A_41, %get3A_42] : memref<1x1xf32, #tpu.memory_space<vmem>>, vector<1x1xf32>
    %mul3A_44 = arith.constant 2.98023224E-7 : f32
    %mul3A_45 = vector.broadcast %mul3A_44 : f32 to vector<1x1xf32>
    %mul3A_46 = arith.mulf %broadcast_in_dim3A_38, %mul3A_45 : vector<1x1xf32>
    %add3A_47 = arith.addf %get3A_43, %mul3A_46 : vector<1x1xf32>
    %swap3A_48 = arith.constant 0 : index
    %swap3A_49 = arith.constant 0 : index
    %swap3A_50 = vector.load %arg5[%swap3A_48, %swap3A_49] : memref<1x1xf32, #tpu.memory_space<vmem>>, vector<1x1xf32>
    tpu.vector_store %arg5[%swap3A_48, %swap3A_49], %add3A_47 {strides = array<i32>} : memref<1x1xf32, #tpu.memory_space<vmem>>, vector<1x1xf32>,
    return
  }
  func.func @transform_0(%arg0: i32) -> (i32, i32) {
    %c0_i32 = arith.constant 0 : i32
    %c0_i32_0 = arith.constant 0 : i32
    return %arg0, %c0_i32 : i32, i32
  }
  func.func @transform_1(%arg0: i32) -> (i32, i32) {
    %c0_i32 = arith.constant 0 : i32
    %c0_i32_0 = arith.constant 0 : i32
    return %arg0, %c0_i32 : i32, i32
  }
  func.func @transform_2(%arg0: i32) -> (i32, i32) {
    %c0_i32 = arith.constant 0 : i32
    %c0_i32_0 = arith.constant 0 : i32
    %c0_i32_1 = arith.constant 0 : i32
    return %c0_i32, %c0_i32_0 : i32, i32
  }
  func.func @transform_3(%arg0: i32) -> (i32, i32) {
    %c0_i32 = arith.constant 0 : i32
    %c0_i32_0 = arith.constant 0 : i32
    return %arg0, %c0_i32 : i32, i32
  }
  func.func @transform_4(%arg0: i32) -> (i32, i32) {
    %c0_i32 = arith.constant 0 : i32
    %c0_i32_0 = arith.constant 0 : i32
    %c0_i32_1 = arith.constant 0 : i32
    return %c0_i32, %c0_i32_0 : i32, i32
  }
  func.func @transform_5(%arg0: i32) -> (i32, i32) {
    %c0_i32 = arith.constant 0 : i32
    %c0_i32_0 = arith.constant 0 : i32
    %c0_i32_1 = arith.constant 0 : i32
    return %c0_i32, %c0_i32_0 : i32, i32
  }
}

</mosaic_0001>

<sc_bundles>
// kernel: kernel.6.cloned.1.call-start
scs
__scs_entry_jumppad:
0x0: {  	(pc) =	sbr.rel $0x88, $3  }
0x1: {  	(tag) =	ssettag $0x0;
	lr =	simm.s32 $0x1  }
0x2: {  	[smem:$0x3F9F] =	sst lr;
	_ =	strace $0xD0000000  }
0x3: {  	_ = 	snop  }
0x4: {  	_ = 	snop  }
0x5: {  	_ = 	snop  }
0x6: {  	_ = 	snop  }
0x7: {  	_ = 	snop  }
__scs_overlays_trampoline_lowered:
0x8: {  	[smem:$0x3FAE] =	sst s0  }
0x9: {  	[smem:$0x3FAF] =	sst s1  }
0xa: {  	[smem:$0x3FB0] =	sst s2  }
0xb: {  	[smem:$0x3FB1] =	sst s3  }
0xc: {  	[smem:$0x3FB2] =	sst s4  }
0xd: {  	[smem:$0x3FB3] =	sst s5  }
0xe: {  	[smem:$0x3FB4] =	sst s6  }
0xf: {  	[smem:$0x3FB5] =	sst s7  }
0x10: {  	[smem:$0x3FB6] =	sst s8  }
0x11: {  	[smem:$0x3FB7] =	sst s9;
	s0 =	simm.s32 @!p0 $0x0  }
0x12: {  	s1 =	sld [smem:$0x3F9D];
	s0 =	simm.s32 @p0 $0x1  }
0x13: {  	[smem:$0x3FB8] =	sst s0;
	s0 =	simm.s32 @!p1 $0x0  }
0x14: {  	s2 =	sld [smem:$0x3F9C];
	s0 =	simm.s32 @p1 $0x1  }
0x15: {  	[smem:$0x3FB9] =	sst s0;
	s0 =	simm.s32 @!p2 $0x0  }
0x16: {  	s3 =	sld [smem:$0x3FDB];
	s0 =	simm.s32 @p2 $0x1  }
0x17: {  	s4 =	simm.s32 $0x1BF5;
	[smem:$0x3FBB] =	sst s0  }
0x18: {  	s0 =	sld [smem:$0x3F9E];
	_ =	swait.ge [sflag:s4], $0x0  }
0x19: {  	s7 =	sld [smem:$0x3F9F]  }
0x1a: {  	s8 =	sadd.s32 $0xFFFFE003, lr  }
0x1b: {  	s9 =	sadd.s32 $0xFFFFFEF7, lr;
	s5 =	simm.s32 $0xFFFFFFFF;
	p2 =	slt.u32 s8, $0xFFFFF086  }
0x1c: {  	p1 =	slt.u32 s9, $0xF7A;
	s5 =	simm.s32 @!p2 $0x0  }
0x1d: {  	s5 =	simm.s32 @p1 $0x1;
	p0 =	seq.s32 s7, s2  }
0x1e: {  	s7 =	smul.u32 @!p0 $0xF7A, s2;
	p2 =	seq.s32 @!p0 s5, $0x0  }
0x1f: {  	s9 =	smul.u32 $0xF7A, s1;
	s8 =	simm.s32 @!p0 $0x1BF5;
	p2 =	por !p2, p0  }
0x20: {  	[sflag:s8] =	ssyncset.s32 @!p0 $0xFFFFF086;
	s6 =	sadd.s32 @!p0 s3, s7;
	s7 =	simm.s32 @!p0 $0x108  }
0x21: {  	s3 =	sadd.s32 s3, s9;
	s6 =	sadd.s32 @!p0 $0x88, s6;
	s7 =	simm.s32 @p2 $0x1082  }
0x22: {  	[simem:s7], [sflag:s8] =	dma.local @!p0 [hbm:s6], $0xF7A  }
0x23: {  	s9 =	sor.u32 $0xD0000000, s2;
	s6 =	simm.s32 $0x108;
	_ =	swait.ge @!p0 [sflag:s8], $0x0  }
0x24: {  	s3 =	sadd.s32 $0x88, s3;
	s6 =	simm.s32 @!p1 $0x1082;
	[sflag:s4] =	ssyncset.s32 $0xFFFFF086  }
0x25: {  	[simem:s6], [sflag:s4] =	dma.local [hbm:s3], $0xF7A  }
0x26: {  	[smem:$0x3F9F] =	sst s1;
	(tag) =	ssettag s2;
	_ =	strace s9  }
0x27: {  	s1 =	sld [smem:$0x3FAF]  }
0x28: {  	s2 =	sld [smem:$0x3FB0]  }
0x29: {  	s4 =	sld [smem:$0x3FB2]  }
0x2a: {  	p0 =	seq.s32 s5, $0x0;
	s5 =	sld [smem:$0x3FB3]  }
0x2b: {  	s6 =	sld [smem:$0x3FB4]  }
0x2c: {  	s7 =	sld [smem:$0x3FB5]  }
0x2d: {  	s3 =	simm.s32 $0x108;
	s8 =	sld [smem:$0x3FB6]  }
0x2e: {  	s3 =	simm.s32 @!p0 $0x1082;
	s9 =	sld [smem:$0x3FB7]  }
0x2f: {  	lr =	sadd.s32 s0, s3;
	s0 =	sld [smem:$0x3FAE]  }
0x30: {  	s3 =	sld [smem:$0x3FB1]  }
0x31: {  	[smem:$0x3FBA] =	sst s10  }
0x32: {  	s10 =	sld [smem:$0x3FB8];
	_ =	sdelay $0x3  }
0x33: {  	p0 =	seq.s32 s10, $0x1;
	s10 =	sld [smem:$0x3FBA];
	_ =	sdelay $0x3  }
0x34: {  	[smem:$0x3FBA] =	sst s10  }
0x35: {  	s10 =	sld [smem:$0x3FB9];
	_ =	sdelay $0x3  }
0x36: {  	p1 =	seq.s32 s10, $0x1;
	s10 =	sld [smem:$0x3FBA];
	_ =	sdelay $0x3  }
0x37: {  	[smem:$0x3FBA] =	sst s10  }
0x38: {  	s10 =	sld [smem:$0x3FBB]  }
0x39: {  	_ = 	snop;
	(pc) =	sbr.ind lr, $3  }
0x3a: {  	_ = 	snop  }
0x3b: {  	_ = 	snop  }
0x3c: {  	p2 =	seq.s32 s10, $0x1;
	s10 =	sld [smem:$0x3FBA]  }
0x3d: {  	_ =	shalt  }
0x3e: {  	_ =	shalt  }
0x3f: {  	_ =	shalt  }
0x40: {  	_ =	shalt  }
0x41: {  	_ =	shalt  }
0x42: {  	_ =	shalt  }
0x43: {  	_ =	shalt  }
0x44: {  	_ =	shalt  }
0x45: {  	_ =	shalt  }
0x46: {  	_ =	shalt  }
0x47: {  	_ =	shalt  }
0x48: {  	_ =	shalt  }
0x49: {  	_ =	shalt  }
0x4a: {  	_ =	shalt  }
0x4b: {  	_ =	shalt  }
0x4c: {  	_ =	shalt  }
0x4d: {  	_ =	shalt  }
0x4e: {  	_ =	shalt  }
0x4f: {  	_ =	shalt  }
0x50: {  	_ =	shalt  }
0x51: {  	_ =	shalt  }
0x52: {  	_ =	shalt  }
0x53: {  	_ =	shalt  }
0x54: {  	_ =	shalt  }
0x55: {  	_ =	shalt  }
0x56: {  	_ =	shalt  }
0x57: {  	_ =	shalt  }
0x58: {  	_ =	shalt  }
0x59: {  	_ =	shalt  }
0x5a: {  	_ =	shalt  }
0x5b: {  	_ =	shalt  }
0x5c: {  	_ =	shalt  }
0x5d: {  	_ =	shalt  }
0x5e: {  	_ =	shalt  }
0x5f: {  	_ =	shalt  }
0x60: {  	_ =	shalt  }
0x61: {  	_ =	shalt  }
0x62: {  	_ =	shalt  }
0x63: {  	_ =	shalt  }
0x64: {  	_ =	shalt  }
0x65: {  	_ =	shalt  }
0x66: {  	_ =	shalt  }
0x67: {  	_ =	shalt  }
0x68: {  	_ =	shalt  }
0x69: {  	_ =	shalt  }
0x6a: {  	_ =	shalt  }
0x6b: {  	_ =	shalt  }
0x6c: {  	_ =	shalt  }
0x6d: {  	_ =	shalt  }
0x6e: {  	_ =	shalt  }
0x6f: {  	_ =	shalt  }
0x70: {  	_ =	shalt  }
0x71: {  	_ =	shalt  }
0x72: {  	_ =	shalt  }
0x73: {  	_ =	shalt  }
0x74: {  	_ =	shalt  }
0x75: {  	_ =	shalt  }
0x76: {  	_ =	shalt  }
0x77: {  	_ =	shalt  }
0x78: {  	_ =	shalt  }
0x79: {  	_ =	shalt  }
0x7a: {  	_ =	shalt  }
0x7b: {  	_ =	shalt  }
0x7c: {  	_ =	shalt  }
0x7d: {  	_ =	shalt  }
0x7e: {  	_ =	shalt  }
0x7f: {  	_ =	shalt  }
0x80: {  	_ =	shalt  }
0x81: {  	_ =	shalt  }
0x82: {  	_ =	shalt  }
0x83: {  	_ =	shalt  }
0x84: {  	_ =	shalt  }
0x85: {  	_ =	shalt  }
0x86: {  	_ =	shalt  }
0x87: {  	_ =	shalt  }
.Lfunc_end0:
.L_simem_size_0:
called_computation_lowered:
.L_overlay_start_0:
0x88: {  	s2 =	sld [smem:$0x3FD9]  }
0x89: {  	s3 =	sld [smem:$0x3FFE];
	_ =	sdelay $0x1  }
0x8a: {  	s1 =	srdreg.scid  }
0x8b: {  	s0 =	sand.u32 $0x1, s1  }
0x8c: {  	s14 =	sshll.u32 s0, $0xA;
	s2 =	sadd.s32 s3, s2  }
0x8d: {  	s2 =	sadd.s32 s2, s14  }
0x8e: {  	[smem:$0x3FC6] =	sst s2  }
0x8f: {  	_ = 	snop  }
0x90: {  	s2 =	sld [smem:$0x3FD0];
	_ =	sdelay $0x2  }
0x91: {  	s4 =	simm.s32 $0xA;
	s5 =	simm.s32 $0x10;
	s15 =	sld [smem:$0x3FC8]  }
0x92: {  	[smem:s5], [sflag:s4] =	dma.local [hbm:s2], $0x1  }
0x93: {  	_ =	swait.eq [sflag:s4], $0x1  }
0x94: {  	[sflag:s4] =	ssyncset.done $0x0  }
0x95: {  	s16 =	sld [smem:$0x11];
	[sflag:s4] =	ssyncadd.s32 $0xFFFFFFFF  }
0x96: {  	s17 =	sld [smem:$0x12];
	(tm) =	ssettm $0x1  }
0x97: {  	s18 =	sld [smem:$0x3FFB];
	_ =	sdelay $0x3  }
0x98: {  	_ =	strace s18  }
0x99: {  	s5 =	sld [smem:$0x3FFC];
	_ =	sdelay $0x3  }
0x9a: {  	_ =	strace s5  }
0x9b: {  	s5 =	sld [smem:$0x3FFD];
	_ =	sdelay $0x3  }
0x9c: {  	_ =	strace s5  }
0x9d: {  	_ =	strace $0x8FFFFFFF  }
0x9e: {  	s19 =	sld [smem:$0x3FDB];
	_ =	sdelay $0x1  }
0x9f: {  	s6 =	simm.s32 $_scs_section_size  }
0xa0: {  	s7 =	simm.s32 $_size__tile_overlayer_lowered;
	s8 =	simm.s32 $_tile_overlayer_lowered  }
0xa1: {  	s22 =	simm.s32 $0x1BFF;
	s21 =	sshll.u32 s8, $0x1;
	s5 =	sadd.s32 s6, s19  }
0xa2: {  	s9 =	simm.s32 $0x0;
	s20 =	sshll.u32 s7, $0x1;
	s7 =	sadd.s32 s21, s5  }
0xa3: {  	[timem:s9], [sflag:s22] =	dma.local [hbm:s7], s20  }
0xa4: {  	_ =	swait.ge [sflag:s22], s20  }
0xa5: {  	s6 =	ssub.s32 $0x0, s20;
	[sflag:s22] =	ssyncset.done $0x0  }
0xa6: {  	[sflag:s22] =	ssyncadd.s32 s6;
	_ =	sdelay $0x1  }
0xa7: {  	s23 =	simm.s32 $0x1B8B  }
0xa8: {  	_ =	swait.ge [sflag:s23], $0x1  }
0xa9: {  	[sflag:s23] =	ssyncset.done $0x0  }
0xaa: {  	s25 =	simm.s32 $0x1B8E;
	s24 =	sld [smem:$0x3FFE];
	[sflag:s23] =	ssyncadd.s32 $0xFFFFFFFF  }
0xab: {  	s26 =	simm.s32 $execute0_lowered;
	[smem:$0x3FD2] =	sst s25  }
0xac: {  	s7 =	sshll.u32 s26, $0x1;
	_ =	strace $0x80000046;
	[dreg:$0x1] =	wrdreg $0xFFFFFFFF  }
0xad: {  	s28 =	simm.s32 $_size_execute0_lowered;
	s5 =	sadd.s32 s5, s7;
	[dreg:$0x0] =	wrdreg $0x0  }
0xae: {  	s7 =	sshll.u32 s28, $0x1;
	[dreg:$0x2] =	wrdreg s5  }
0xaf: {  	[dreg:$0x3] =	wrdreg s7  }
0xb0: {  	[dreg:$0x4] =	wrdreg $0xC0  }
0xb1: {  	_ =	task [dreg:s9], $0x5FFFF  }
0xb2: {  	[dreg:$0x1] =	wrdreg $0xFFFFFFFF  }
0xb3: {  	[dreg:$0x0] =	wrdreg $0x60  }
0xb4: {  	[dreg:$0x2] =	wrdreg s15  }
0xb5: {  	[dreg:$0x3] =	wrdreg s17  }
0xb6: {  	[dreg:$0x4] =	wrdreg s24  }
0xb7: {  	[dreg:$0x5] =	wrdreg s16  }
0xb8: {  	[dreg:$0x6] =	wrdreg $0x84800  }
0xb9: {  	[dreg:$0x7] =	wrdreg $0x9  }
0xba: {  	_ =	task.clear_ibuf [dreg:s9], $0x8FFFF;
	_ =	strace $0x90000046  }
0xbb: {  	s29 =	simm.s32 $0x9;
	_ =	strace $0x80000048  }
0xbc: {  	_ =	swait.ge [sflag:s29], $0x1  }
0xbd: {  	[sflag:s29] =	ssyncadd.s32 $0xFFFFFFFF  }
0xbe: {  	_ =	strace $0x90000048  }
0xbf: {  	_ =	sfence  }
0xc0: {  	s30 =	sld [smem:$0x0];
	_ =	sdelay $0x2  }
0xc1: {  	s31 =	sshll.u32 s1, $0xD;
	s1 =	sshrl.u32 s1, $0x2  }
0xc2: {  	s3 =	sand.u32 $0x4000, s31;
	s1 =	sadd.s32 s1, s30  }
0xc3: {  	s0 =	sor.u32 s3, s0;
	s1 =	sshll.u32 s1, $0x11  }
0xc4: {  	s0 =	sor.u32 s1, s0  }
0xc5: {  	s0 =	sadd.s32 $0x8F2B, s0  }
0xc6: {  	[sflag:s0] =	ssyncadd.remote.s32 $0x1  }
0xc7: {  	_ =	sfence.sel $0xFFFF  }
0xc8: {  	[dreg:$0x0] =	wrdreg $0xFFFFFFFF;
	(pc) =	sbr.abs _section_cstart, $3  }
0xc9: {  	[dreg:$0x1] =	wrdreg $0xFFFFFFFF  }
0xca: {  	_ =	task.clear_ibuf [dreg:s9], $0x2FFFF;
	_ =	strace $0x9FFFFFFF  }
0xcb: {  	(tm) =	ssettm $0x7FFFFFFF  }
tec
execute0_lowered:
.L_overlay_start_1:
0x0: {  	(tag) =	ssettag $0x1  }
0x1: {  	s1 =	rddreg [dreg:$0x0]  }
0x2: {  	s0 =	rddreg [dreg:$0x1]  }
0x3: {  	s5 =	rddreg [dreg:$0x2]  }
0x4: {  	s8 =	rddreg [dreg:$0x3]  }
0x5: {  	s3 =	rddreg [dreg:$0x4];
	s6 =	srdreg.scid  }
0x6: {  	s4 =	simm.s32 $0x0;
	s2 =	stileid.u32;
	s12 =	simm.s32 $0x200  }
0x7: {  	s13 =	simm.s32 $0xA00;
	s14 =	simm.s32 $0x1200;
	s15 =	simm.s32 $0x1A00  }
0x8: {  	s16 =	simm.s32 $0x2200;
	s17 =	simm.s32 $0x2A00;
	s18 =	simm.s32 $0x3200  }
0x9: {  	s19 =	simm.s32 $0x3A00;
	s28 =	simm.s32 $0x7A00;
	s29 =	simm.s32 $0x80  }
0xa: {  	s30 =	simm.s32 $0x8200;
	s31 =	simm.s32 $0x100;
	s6 =	sand.u32 $0x1, s6  }
0xb: {  	[smem:$0x7FF] =	sst s4;
	s7 =	sshll.u32 s2, $0xF;
	s11 =	sshll.u32 s2, $0x7  }
0xc: {  	s24 =	sshll.u32 s2, $0x9;
	s9 =	sshll.u32 s6, $0xE;
	_ =	strace $0x80000047  }
0xd: {  	s20 =	sshll.u32 s6, $0x6;
	s10 =	ssub.s32 $0x2, s6;
	s26 =	sshll.u32 s6, $0x4  }
0xe: {  	s7 =	sor.u32 s9, s7;
	s0 =	sadd.s32 s0, s20;
	s21 =	sshrl.u32 s10, $0x1  }
0xf: {  	s20 =	simm.s32 $0x4200;
	s7 =	sadd.s32 s7, s5;
	s0 =	sadd.s32 s11, s0  }
0x10: {  	s22 =	ssub.s32 s10, s21;
	s5 =	sadd.s32 s24, s3;
	s10 =	simm.s32 $0x8280  }
0x11: {  	s21 =	simm.s32 $0x4A00;
	s24 =	simm.s32 $0x6200;
	[dreg:$0x6] =	wrdreg s0  }
0x12: {  	s23 =	sadd.s32 $0x1E00, s7;
	s25 =	sadd.s32 $0x2E00, s7;
	s6 =	sadd.s32 $0x3E00, s7  }
0x13: {  	s7 =	sadd.s32 $0x4E00, s7;
	s0 =	sadd.s32 s8, s26;
	s9 =	smax.u32 s22, $0x1  }
0x14: {  	v0 =	vimm.f32 $0.0e+00;
	v4 =	vlaneseq.u32;
	s22 =	simm.s32 $0x5200;
	s26 =	simm.s32 $0x7200;
	[dreg:$0x7] =	wrdreg s23  }
0x15: {  	v1 =	vimm.f32 $1.000000000e+00;
	vm0 =	vmmov $0xffff;
	v3 =	vshrl.u32 v4, $0x3;
	[dreg:$0x8] =	wrdreg s25;
	s8 =	sadd.s32 s11, s0;
	s11 =	simm.s32 $0x1  }
0x16: {  	v2 =	vand.u32 $0x7, v4;
	v4 =	vor.u32 $0x8, v4;
	v3 =	vmul.u32 $0x8, v3;
	s23 =	simm.s32 $0x5A00;
	s25 =	simm.s32 $0x6A00;
	s0 =	simm.s32 $0x180  }
.LBB2_1:
0x17: {  	[tilespmem:$0x8280] =	vst v0  }
0x18: {  	[tilespmem:$0x8290] =	vst v0  }
0x19: {  	[tilespmem:$0x82A0] =	vst v0  }
0x1a: {  	[tilespmem:$0x82B0] =	vst v0  }
0x1b: {  	[tilespmem:$0x82C0] =	vst v0  }
0x1c: {  	[tilespmem:$0x82D0] =	vst v0  }
0x1d: {  	[tilespmem:$0x82E0] =	vst v0  }
0x1e: {  	[tilespmem:$0x82F0] =	vst v0  }
0x1f: {  	[tilespmem:$0x8300] =	vst v0  }
0x20: {  	[tilespmem:$0x8310] =	vst v0  }
0x21: {  	[tilespmem:$0x8320] =	vst v0  }
0x22: {  	[tilespmem:$0x8330] =	vst v0  }
0x23: {  	[tilespmem:$0x8340] =	vst v0  }
0x24: {  	[tilespmem:$0x8350] =	vst v0  }
0x25: {  	[tilespmem:$0x8360] =	vst v0  }
0x26: {  	[tilespmem:$0x8370] =	vst v0  }
0x27: {  	[tilespmem:$0x8380] =	vst v0  }
0x28: {  	[tilespmem:$0x8390] =	vst v0  }
0x29: {  	[tilespmem:$0x83A0] =	vst v0  }
0x2a: {  	[tilespmem:$0x83B0] =	vst v0  }
0x2b: {  	[tilespmem:$0x83C0] =	vst v0  }
0x2c: {  	[tilespmem:$0x83D0] =	vst v0  }
0x2d: {  	[tilespmem:$0x83E0] =	vst v0  }
0x2e: {  	[tilespmem:$0x83F0] =	vst v0  }
0x2f: {  	[tilespmem:$0x8400] =	vst v0  }
0x30: {  	[tilespmem:$0x8410] =	vst v0  }
0x31: {  	[tilespmem:$0x8420] =	vst v0  }
0x32: {  	[tilespmem:$0x8430] =	vst v0  }
0x33: {  	[tilespmem:$0x8440] =	vst v0  }
0x34: {  	[tilespmem:$0x8450] =	vst v0  }
0x35: {  	[tilespmem:$0x8460] =	vst v0  }
0x36: {  	[tilespmem:$0x8470] =	vst v0  }
0x37: {  	[spmem:s5] =	stream.linear.scatter [tilespmem:s10], [sflag:$0x1], $0x200, $0x38;
	[tilespmem:$0x8680] =	vst v63  }
0x38: {  	_ =	swait.ge [sflag:s11], $0x200  }
0x39: {  	[sflag:s11] =	ssyncset.done $0x0  }
0x3a: {  	[sflag:s11] =	ssyncadd.s32 $0xFFFFFE00  }
0x3b: {  	[tilespmem:$0x8200] =	vst v1  }
0x3c: {  	[tilespmem:$0x8210] =	vst v1  }
0x3d: {  	[tilespmem:$0x8220] =	vst v1  }
0x3e: {  	[tilespmem:$0x8230] =	vst v1  }
0x3f: {  	[tilespmem:$0x8240] =	vst v1  }
0x40: {  	[tilespmem:$0x8250] =	vst v1  }
0x41: {  	[tilespmem:$0x8260] =	vst v1  }
0x42: {  	s2 =	rddreg [dreg:$0x6];
	[tilespmem:$0x8270] =	vst v1  }
0x43: {  	[tilespmem:s4], [sflag:$0x1] =	stream.linear.gather [hbm4b:s2+s4], $0x200, $0x38;
	[tilespmem:$0x8680] =	vst v63  }
0x44: {  	_ =	swait.ge [sflag:s11], $0x200  }
0x45: {  	[sflag:s11] =	ssyncset.done $0x0  }
0x46: {  	[sflag:s11] =	ssyncadd.s32 $0xFFFFFE00  }
0x47: {  	[bflag:$0x0] =	sbarrier.arrive $0xFFFF  }
0x48: {  	v5 =	vld [tilespmem:$0x0];
	_ =	sdelay $0x4  }
0x49: {  	v6 =	vshll.u32 v5, $0x1  }
0x4a: {  	v5 =	vand.u32 $0x7, v5;
	v6 =	vand.u32 $0xFFFFFFF0, v6  }
0x4b: {  	v5 =	vor.u32 v5, v6  }
0x4c: {  	v6 =	vperm.xlane v5, v2;
	_ =	sdelay $0x1  }
0x4d: {  	v5 =	vperm.xlane v5, v4;
	v6 =	vadd.s32 v3, v6;
	_ =	sdelay $0x1  }
0x4e: {  	v5 =	vadd.s32 v3, v5;
	_ =	sdelay $0x2  }
0x4f: {  	[tilespmem:s12], [sflag:$0x1] =	stream.indirect_vreg.gather [hbm4b:s1+s4], $0x80, v6, vm0, $0xb8;
	[tilespmem:$0x8680] =	vst v63  }
0x50: {  	_ = 	snop  }
0x51: {  	[tilespmem:s13], [sflag:$0x1] =	stream.indirect_vreg.gather [hbm4b:s1+s4], $0x80, v5, vm0, $0xb8;
	[tilespmem:$0x8680] =	vst v63  }
0x52: {  	v5 =	vld [tilespmem:$0x10];
	_ =	sdelay $0x4  }
0x53: {  	v6 =	vshll.u32 v5, $0x1  }
0x54: {  	v5 =	vand.u32 $0x7, v5;
	v6 =	vand.u32 $0xFFFFFFF0, v6  }
0x55: {  	v5 =	vor.u32 v5, v6  }
0x56: {  	v6 =	vperm.xlane v5, v2;
	_ =	sdelay $0x1  }
0x57: {  	v5 =	vperm.xlane v5, v4;
	v6 =	vadd.s32 v3, v6;
	_ =	sdelay $0x1  }
0x58: {  	v5 =	vadd.s32 v3, v5;
	_ =	sdelay $0x2  }
0x59: {  	[tilespmem:s14], [sflag:$0x1] =	stream.indirect_vreg.gather [hbm4b:s1+s4], $0x80, v6, vm0, $0xb8;
	[tilespmem:$0x8680] =	vst v63  }
0x5a: {  	_ = 	snop  }
0x5b: {  	[tilespmem:s15], [sflag:$0x1] =	stream.indirect_vreg.gather [hbm4b:s1+s4], $0x80, v5, vm0, $0xb8;
	[tilespmem:$0x8680] =	vst v63  }
0x5c: {  	v5 =	vld [tilespmem:$0x20];
	_ =	sdelay $0x4  }
0x5d: {  	v6 =	vshll.u32 v5, $0x1  }
0x5e: {  	v5 =	vand.u32 $0x7, v5;
	v6 =	vand.u32 $0xFFFFFFF0, v6  }
0x5f: {  	v5 =	vor.u32 v5, v6  }
0x60: {  	v6 =	vperm.xlane v5, v2;
	_ =	sdelay $0x1  }
0x61: {  	v5 =	vperm.xlane v5, v4;
	v6 =	vadd.s32 v3, v6;
	_ =	sdelay $0x1  }
0x62: {  	v5 =	vadd.s32 v3, v5;
	_ =	sdelay $0x2  }
0x63: {  	[tilespmem:s16], [sflag:$0x1] =	stream.indirect_vreg.gather [hbm4b:s1+s4], $0x80, v6, vm0, $0xb8;
	[tilespmem:$0x8680] =	vst v63  }
0x64: {  	_ = 	snop  }
0x65: {  	[tilespmem:s17], [sflag:$0x1] =	stream.indirect_vreg.gather [hbm4b:s1+s4], $0x80, v5, vm0, $0xb8;
	[tilespmem:$0x8680] =	vst v63  }
0x66: {  	v5 =	vld [tilespmem:$0x30];
	_ =	sdelay $0x4  }
0x67: {  	v6 =	vshll.u32 v5, $0x1  }
0x68: {  	v5 =	vand.u32 $0x7, v5;
	v6 =	vand.u32 $0xFFFFFFF0, v6  }
0x69: {  	v5 =	vor.u32 v5, v6  }
0x6a: {  	v6 =	vperm.xlane v5, v2;
	_ =	sdelay $0x1  }
0x6b: {  	v5 =	vperm.xlane v5, v4;
	v6 =	vadd.s32 v3, v6;
	_ =	sdelay $0x1  }
0x6c: {  	v5 =	vadd.s32 v3, v5;
	_ =	sdelay $0x2  }
0x6d: {  	[tilespmem:s18], [sflag:$0x1] =	stream.indirect_vreg.gather [hbm4b:s1+s4], $0x80, v6, vm0, $0xb8;
	[tilespmem:$0x8680] =	vst v63  }
0x6e: {  	_ = 	snop  }
0x6f: {  	[tilespmem:s19], [sflag:$0x1] =	stream.indirect_vreg.gather [hbm4b:s1+s4], $0x80, v5, vm0, $0xb8;
	[tilespmem:$0x8680] =	vst v63  }
0x70: {  	v5 =	vld [tilespmem:$0x40];
	_ =	sdelay $0x4  }
0x71: {  	v6 =	vshll.u32 v5, $0x1  }
0x72: {  	v5 =	vand.u32 $0x7, v5;
	v6 =	vand.u32 $0xFFFFFFF0, v6  }
0x73: {  	v5 =	vor.u32 v5, v6  }
0x74: {  	v6 =	vperm.xlane v5, v2;
	_ =	sdelay $0x1  }
0x75: {  	v5 =	vperm.xlane v5, v4;
	v6 =	vadd.s32 v3, v6;
	_ =	sdelay $0x1  }
0x76: {  	v5 =	vadd.s32 v3, v5;
	_ =	sdelay $0x2  }
0x77: {  	[tilespmem:s20], [sflag:$0x1] =	stream.indirect_vreg.gather [hbm4b:s1+s4], $0x80, v6, vm0, $0xb8;
	[tilespmem:$0x8680] =	vst v63  }
0x78: {  	_ = 	snop  }
0x79: {  	[tilespmem:s21], [sflag:$0x1] =	stream.indirect_vreg.gather [hbm4b:s1+s4], $0x80, v5, vm0, $0xb8;
	[tilespmem:$0x8680] =	vst v63  }
0x7a: {  	v5 =	vld [tilespmem:$0x50];
	_ =	sdelay $0x4  }
0x7b: {  	v6 =	vshll.u32 v5, $0x1  }
0x7c: {  	v5 =	vand.u32 $0x7, v5;
	v6 =	vand.u32 $0xFFFFFFF0, v6  }
0x7d: {  	v5 =	vor.u32 v5, v6  }
0x7e: {  	v6 =	vperm.xlane v5, v2;
	_ =	sdelay $0x1  }
0x7f: {  	v5 =	vperm.xlane v5, v4;
	v6 =	vadd.s32 v3, v6;
	_ =	sdelay $0x1  }
0x80: {  	v5 =	vadd.s32 v3, v5;
	_ =	sdelay $0x2  }
0x81: {  	[tilespmem:s22], [sflag:$0x1] =	stream.indirect_vreg.gather [hbm4b:s1+s4], $0x80, v6, vm0, $0xb8;
	[tilespmem:$0x8680] =	vst v63  }
0x82: {  	_ = 	snop  }
0x83: {  	[tilespmem:s23], [sflag:$0x1] =	stream.indirect_vreg.gather [hbm4b:s1+s4], $0x80, v5, vm0, $0xb8;
	[tilespmem:$0x8680] =	vst v63  }
0x84: {  	v5 =	vld [tilespmem:$0x60];
	_ =	sdelay $0x4  }
0x85: {  	v6 =	vshll.u32 v5, $0x1  }
0x86: {  	v5 =	vand.u32 $0x7, v5;
	v6 =	vand.u32 $0xFFFFFFF0, v6  }
0x87: {  	v5 =	vor.u32 v5, v6  }
0x88: {  	v6 =	vperm.xlane v5, v2;
	_ =	sdelay $0x1  }
0x89: {  	v5 =	vperm.xlane v5, v4;
	v6 =	vadd.s32 v3, v6;
	_ =	sdelay $0x1  }
0x8a: {  	v5 =	vadd.s32 v3, v5;
	_ =	sdelay $0x2  }
0x8b: {  	[tilespmem:s24], [sflag:$0x1] =	stream.indirect_vreg.gather [hbm4b:s1+s4], $0x80, v6, vm0, $0xb8;
	[tilespmem:$0x8680] =	vst v63  }
0x8c: {  	_ = 	snop  }
0x8d: {  	[tilespmem:s25], [sflag:$0x1] =	stream.indirect_vreg.gather [hbm4b:s1+s4], $0x80, v5, vm0, $0xb8;
	[tilespmem:$0x8680] =	vst v63  }
0x8e: {  	v5 =	vld [tilespmem:$0x70];
	_ =	sdelay $0x4  }
0x8f: {  	v6 =	vshll.u32 v5, $0x1  }
0x90: {  	v5 =	vand.u32 $0x7, v5;
	v6 =	vand.u32 $0xFFFFFFF0, v6  }
0x91: {  	v5 =	vor.u32 v5, v6  }
0x92: {  	v6 =	vperm.xlane v5, v2;
	_ =	sdelay $0x1  }
0x93: {  	v5 =	vperm.xlane v5, v4;
	v6 =	vadd.s32 v3, v6;
	_ =	sdelay $0x1  }
0x94: {  	v5 =	vadd.s32 v3, v5;
	_ =	sdelay $0x2  }
0x95: {  	[tilespmem:s26], [sflag:$0x1] =	stream.indirect_vreg.gather [hbm4b:s1+s4], $0x80, v6, vm0, $0xb8;
	[tilespmem:$0x8680] =	vst v63  }
0x96: {  	_ = 	snop  }
0x97: {  	[tilespmem:s28], [sflag:$0x1] =	stream.indirect_vreg.gather [hbm4b:s1+s4], $0x80, v5, vm0, $0xb8;
	[tilespmem:$0x8680] =	vst v63  }
0x98: {  	_ =	swait.ge [sflag:s11], $0x8000  }
0x99: {  	[sflag:s11] =	ssyncset.done $0x0  }
0x9a: {  	s2 =	rddreg [dreg:$0x7];
	[sflag:s11] =	ssyncadd.s32 $0xFFFF8000  }
0x9b: {  	[hbm4b:s2+s4] =	stream.linear.scatter [tilespmem:s12], [sflag:$0x1], $0x8000, $0x38;
	[tilespmem:$0x8680] =	vst v63  }
0x9c: {  	_ =	swait.ge [sflag:s11], $0x8000  }
0x9d: {  	[sflag:s11] =	ssyncset.done $0x0  }
0x9e: {  	[sflag:s11] =	ssyncadd.s32 $0xFFFF8000  }
0x9f: {  	[spmem:s3] =	stream.indirect.scatter.add.f32 [tilespmem:s30], [sflag:$0x1], $0x1, s4, s29, $0xb8;
	[tilespmem:$0x8680] =	vst v63  }
0xa0: {  	_ =	swait.ge [sflag:s11], $0x80  }
0xa1: {  	[sflag:s11] =	ssyncset.done $0x0  }
0xa2: {  	[sflag:s11] =	ssyncadd.s32 $0xFFFFFF80  }
0xa3: {  	v5 =	vld [tilespmem:$0x80];
	_ =	sdelay $0x4  }
0xa4: {  	v6 =	vshll.u32 v5, $0x1  }
0xa5: {  	v5 =	vand.u32 $0x7, v5;
	v6 =	vand.u32 $0xFFFFFFF0, v6  }
0xa6: {  	v5 =	vor.u32 v5, v6  }
0xa7: {  	v6 =	vperm.xlane v5, v2;
	_ =	sdelay $0x1  }
0xa8: {  	v5 =	vperm.xlane v5, v4;
	v6 =	vadd.s32 v3, v6;
	_ =	sdelay $0x1  }
0xa9: {  	v5 =	vadd.s32 v3, v5;
	_ =	sdelay $0x2  }
0xaa: {  	[tilespmem:s12], [sflag:$0x1] =	stream.indirect_vreg.gather [hbm4b:s1+s4], $0x80, v6, vm0, $0xb8;
	[tilespmem:$0x8680] =	vst v63  }
0xab: {  	_ = 	snop  }
0xac: {  	[tilespmem:s13], [sflag:$0x1] =	stream.indirect_vreg.gather [hbm4b:s1+s4], $0x80, v5, vm0, $0xb8;
	[tilespmem:$0x8680] =	vst v63  }
0xad: {  	v5 =	vld [tilespmem:$0x90];
	_ =	sdelay $0x4  }
0xae: {  	v6 =	vshll.u32 v5, $0x1  }
0xaf: {  	v5 =	vand.u32 $0x7, v5;
	v6 =	vand.u32 $0xFFFFFFF0, v6  }
0xb0: {  	v5 =	vor.u32 v5, v6  }
0xb1: {  	v6 =	vperm.xlane v5, v2;
	_ =	sdelay $0x1  }
0xb2: {  	v5 =	vperm.xlane v5, v4;
	v6 =	vadd.s32 v3, v6;
	_ =	sdelay $0x1  }
0xb3: {  	v5 =	vadd.s32 v3, v5;
	_ =	sdelay $0x2  }
0xb4: {  	[tilespmem:s14], [sflag:$0x1] =	stream.indirect_vreg.gather [hbm4b:s1+s4], $0x80, v6, vm0, $0xb8;
	[tilespmem:$0x8680] =	vst v63  }
0xb5: {  	_ = 	snop  }
0xb6: {  	[tilespmem:s15], [sflag:$0x1] =	stream.indirect_vreg.gather [hbm4b:s1+s4], $0x80, v5, vm0, $0xb8;
	[tilespmem:$0x8680] =	vst v63  }
0xb7: {  	v5 =	vld [tilespmem:$0xA0];
	_ =	sdelay $0x4  }
0xb8: {  	v6 =	vshll.u32 v5, $0x1  }
0xb9: {  	v5 =	vand.u32 $0x7, v5;
	v6 =	vand.u32 $0xFFFFFFF0, v6  }
0xba: {  	v5 =	vor.u32 v5, v6  }
0xbb: {  	v6 =	vperm.xlane v5, v2;
	_ =	sdelay $0x1  }
0xbc: {  	v5 =	vperm.xlane v5, v4;
	v6 =	vadd.s32 v3, v6;
	_ =	sdelay $0x1  }
0xbd: {  	v5 =	vadd.s32 v3, v5;
	_ =	sdelay $0x2  }
0xbe: {  	[tilespmem:s16], [sflag:$0x1] =	stream.indirect_vreg.gather [hbm4b:s1+s4], $0x80, v6, vm0, $0xb8;
	[tilespmem:$0x8680] =	vst v63  }
0xbf: {  	_ = 	snop  }
0xc0: {  	[tilespmem:s17], [sflag:$0x1] =	stream.indirect_vreg.gather [hbm4b:s1+s4], $0x80, v5, vm0, $0xb8;
	[tilespmem:$0x8680] =	vst v63  }
0xc1: {  	v5 =	vld [tilespmem:$0xB0];
	_ =	sdelay $0x4  }
0xc2: {  	v6 =	vshll.u32 v5, $0x1  }
0xc3: {  	v5 =	vand.u32 $0x7, v5;
	v6 =	vand.u32 $0xFFFFFFF0, v6  }
0xc4: {  	v5 =	vor.u32 v5, v6  }
0xc5: {  	v6 =	vperm.xlane v5, v2;
	_ =	sdelay $0x1  }
0xc6: {  	v5 =	vperm.xlane v5, v4;
	v6 =	vadd.s32 v3, v6;
	_ =	sdelay $0x1  }
0xc7: {  	v5 =	vadd.s32 v3, v5;
	_ =	sdelay $0x2  }
0xc8: {  	[tilespmem:s18], [sflag:$0x1] =	stream.indirect_vreg.gather [hbm4b:s1+s4], $0x80, v6, vm0, $0xb8;
	[tilespmem:$0x8680] =	vst v63  }
0xc9: {  	_ = 	snop  }
0xca: {  	[tilespmem:s19], [sflag:$0x1] =	stream.indirect_vreg.gather [hbm4b:s1+s4], $0x80, v5, vm0, $0xb8;
	[tilespmem:$0x8680] =	vst v63  }
0xcb: {  	v5 =	vld [tilespmem:$0xC0];
	_ =	sdelay $0x4  }
0xcc: {  	v6 =	vshll.u32 v5, $0x1  }
0xcd: {  	v5 =	vand.u32 $0x7, v5;
	v6 =	vand.u32 $0xFFFFFFF0, v6  }
0xce: {  	v5 =	vor.u32 v5, v6  }
0xcf: {  	v6 =	vperm.xlane v5, v2;
	_ =	sdelay $0x1  }
0xd0: {  	v5 =	vperm.xlane v5, v4;
	v6 =	vadd.s32 v3, v6;
	_ =	sdelay $0x1  }
0xd1: {  	v5 =	vadd.s32 v3, v5;
	_ =	sdelay $0x2  }
0xd2: {  	[tilespmem:s20], [sflag:$0x1] =	stream.indirect_vreg.gather [hbm4b:s1+s4], $0x80, v6, vm0, $0xb8;
	[tilespmem:$0x8680] =	vst v63  }
0xd3: {  	_ = 	snop  }
0xd4: {  	[tilespmem:s21], [sflag:$0x1] =	stream.indirect_vreg.gather [hbm4b:s1+s4], $0x80, v5, vm0, $0xb8;
	[tilespmem:$0x8680] =	vst v63  }
0xd5: {  	v5 =	vld [tilespmem:$0xD0];
	_ =	sdelay $0x4  }
0xd6: {  	v6 =	vshll.u32 v5, $0x1  }
0xd7: {  	v5 =	vand.u32 $0x7, v5;
	v6 =	vand.u32 $0xFFFFFFF0, v6  }
0xd8: {  	v5 =	vor.u32 v5, v6  }
0xd9: {  	v6 =	vperm.xlane v5, v2;
	_ =	sdelay $0x1  }
0xda: {  	v5 =	vperm.xlane v5, v4;
	v6 =	vadd.s32 v3, v6;
	_ =	sdelay $0x1  }
0xdb: {  	v5 =	vadd.s32 v3, v5;
	_ =	sdelay $0x2  }
0xdc: {  	[tilespmem:s22], [sflag:$0x1] =	stream.indirect_vreg.gather [hbm4b:s1+s4], $0x80, v6, vm0, $0xb8;
	[tilespmem:$0x8680] =	vst v63  }
0xdd: {  	_ = 	snop  }
0xde: {  	[tilespmem:s23], [sflag:$0x1] =	stream.indirect_vreg.gather [hbm4b:s1+s4], $0x80, v5, vm0, $0xb8;
	[tilespmem:$0x8680] =	vst v63  }
0xdf: {  	v5 =	vld [tilespmem:$0xE0];
	_ =	sdelay $0x4  }
0xe0: {  	v6 =	vshll.u32 v5, $0x1  }
0xe1: {  	v5 =	vand.u32 $0x7, v5;
	v6 =	vand.u32 $0xFFFFFFF0, v6  }
0xe2: {  	v5 =	vor.u32 v5, v6  }
0xe3: {  	v6 =	vperm.xlane v5, v2;
	_ =	sdelay $0x1  }
0xe4: {  	v5 =	vperm.xlane v5, v4;
	v6 =	vadd.s32 v3, v6;
	_ =	sdelay $0x1  }
0xe5: {  	v5 =	vadd.s32 v3, v5;
	_ =	sdelay $0x2  }
0xe6: {  	[tilespmem:s24], [sflag:$0x1] =	stream.indirect_vreg.gather [hbm4b:s1+s4], $0x80, v6, vm0, $0xb8;
	[tilespmem:$0x8680] =	vst v63  }
0xe7: {  	_ = 	snop  }
0xe8: {  	[tilespmem:s25], [sflag:$0x1] =	stream.indirect_vreg.gather [hbm4b:s1+s4], $0x80, v5, vm0, $0xb8;
	[tilespmem:$0x8680] =	vst v63  }
0xe9: {  	v5 =	vld [tilespmem:$0xF0];
	_ =	sdelay $0x4  }
0xea: {  	v6 =	vshll.u32 v5, $0x1  }
0xeb: {  	v5 =	vand.u32 $0x7, v5;
	v6 =	vand.u32 $0xFFFFFFF0, v6  }
0xec: {  	v5 =	vor.u32 v5, v6  }
0xed: {  	v6 =	vperm.xlane v5, v2;
	_ =	sdelay $0x1  }
0xee: {  	v5 =	vperm.xlane v5, v4;
	v6 =	vadd.s32 v3, v6;
	_ =	sdelay $0x1  }
0xef: {  	v5 =	vadd.s32 v3, v5;
	_ =	sdelay $0x2  }
0xf0: {  	[tilespmem:s26], [sflag:$0x1] =	stream.indirect_vreg.gather [hbm4b:s1+s4], $0x80, v6, vm0, $0xb8;
	[tilespmem:$0x8680] =	vst v63  }
0xf1: {  	_ = 	snop  }
0xf2: {  	[tilespmem:s28], [sflag:$0x1] =	stream.indirect_vreg.gather [hbm4b:s1+s4], $0x80, v5, vm0, $0xb8;
	[tilespmem:$0x8680] =	vst v63  }
0xf3: {  	_ =	swait.ge [sflag:s11], $0x8000  }
0xf4: {  	[sflag:s11] =	ssyncset.done $0x0  }
0xf5: {  	s2 =	rddreg [dreg:$0x8];
	[sflag:s11] =	ssyncadd.s32 $0xFFFF8000  }
0xf6: {  	[hbm4b:s2+s4] =	stream.linear.scatter [tilespmem:s12], [sflag:$0x1], $0x8000, $0x38;
	[tilespmem:$0x8680] =	vst v63  }
0xf7: {  	_ =	swait.ge [sflag:s11], $0x8000  }
0xf8: {  	[sflag:s11] =	ssyncset.done $0x0  }
0xf9: {  	[sflag:s11] =	ssyncadd.s32 $0xFFFF8000  }
0xfa: {  	[spmem:s3] =	stream.indirect.scatter.add.f32 [tilespmem:s30], [sflag:$0x1], $0x1, s29, s29, $0xb8;
	[tilespmem:$0x8680] =	vst v63  }
0xfb: {  	_ =	swait.ge [sflag:s11], $0x80  }
0xfc: {  	[sflag:s11] =	ssyncset.done $0x0  }
0xfd: {  	[sflag:s11] =	ssyncadd.s32 $0xFFFFFF80  }
0xfe: {  	v5 =	vld [tilespmem:$0x100];
	_ =	sdelay $0x4  }
0xff: {  	v6 =	vshll.u32 v5, $0x1  }
0x100: {  	v5 =	vand.u32 $0x7, v5;
	v6 =	vand.u32 $0xFFFFFFF0, v6  }
0x101: {  	v5 =	vor.u32 v5, v6  }
0x102: {  	v6 =	vperm.xlane v5, v2;
	_ =	sdelay $0x1  }
0x103: {  	v5 =	vperm.xlane v5, v4;
	v6 =	vadd.s32 v3, v6;
	_ =	sdelay $0x1  }
0x104: {  	v5 =	vadd.s32 v3, v5;
	_ =	sdelay $0x2  }
0x105: {  	[tilespmem:s12], [sflag:$0x1] =	stream.indirect_vreg.gather [hbm4b:s1+s4], $0x80, v6, vm0, $0xb8;
	[tilespmem:$0x8680] =	vst v63  }
0x106: {  	_ = 	snop  }
0x107: {  	[tilespmem:s13], [sflag:$0x1] =	stream.indirect_vreg.gather [hbm4b:s1+s4], $0x80, v5, vm0, $0xb8;
	[tilespmem:$0x8680] =	vst v63  }
0x108: {  	v5 =	vld [tilespmem:$0x110];
	_ =	sdelay $0x4  }
0x109: {  	v6 =	vshll.u32 v5, $0x1  }
0x10a: {  	v5 =	vand.u32 $0x7, v5;
	v6 =	vand.u32 $0xFFFFFFF0, v6  }
0x10b: {  	v5 =	vor.u32 v5, v6  }
0x10c: {  	v6 =	vperm.xlane v5, v2;
	_ =	sdelay $0x1  }
0x10d: {  	v5 =	vperm.xlane v5, v4;
	v6 =	vadd.s32 v3, v6;
	_ =	sdelay $0x1  }
0x10e: {  	v5 =	vadd.s32 v3, v5;
	_ =	sdelay $0x2  }
0x10f: {  	[tilespmem:s14], [sflag:$0x1] =	stream.indirect_vreg.gather [hbm4b:s1+s4], $0x80, v6, vm0, $0xb8;
	[tilespmem:$0x8680] =	vst v63  }
0x110: {  	_ = 	snop  }
0x111: {  	[tilespmem:s15], [sflag:$0x1] =	stream.indirect_vreg.gather [hbm4b:s1+s4], $0x80, v5, vm0, $0xb8;
	[tilespmem:$0x8680] =	vst v63  }
0x112: {  	v5 =	vld [tilespmem:$0x120];
	_ =	sdelay $0x4  }
0x113: {  	v6 =	vshll.u32 v5, $0x1  }
0x114: {  	v5 =	vand.u32 $0x7, v5;
	v6 =	vand.u32 $0xFFFFFFF0, v6  }
0x115: {  	v5 =	vor.u32 v5, v6  }
0x116: {  	v6 =	vperm.xlane v5, v2;
	_ =	sdelay $0x1  }
0x117: {  	v5 =	vperm.xlane v5, v4;
	v6 =	vadd.s32 v3, v6;
	_ =	sdelay $0x1  }
0x118: {  	v5 =	vadd.s32 v3, v5;
	_ =	sdelay $0x2  }
0x119: {  	[tilespmem:s16], [sflag:$0x1] =	stream.indirect_vreg.gather [hbm4b:s1+s4], $0x80, v6, vm0, $0xb8;
	[tilespmem:$0x8680] =	vst v63  }
0x11a: {  	_ = 	snop  }
0x11b: {  	[tilespmem:s17], [sflag:$0x1] =	stream.indirect_vreg.gather [hbm4b:s1+s4], $0x80, v5, vm0, $0xb8;
	[tilespmem:$0x8680] =	vst v63  }
0x11c: {  	v5 =	vld [tilespmem:$0x130];
	_ =	sdelay $0x4  }
0x11d: {  	v6 =	vshll.u32 v5, $0x1  }
0x11e: {  	v5 =	vand.u32 $0x7, v5;
	v6 =	vand.u32 $0xFFFFFFF0, v6  }
0x11f: {  	v5 =	vor.u32 v5, v6  }
0x120: {  	v6 =	vperm.xlane v5, v2;
	_ =	sdelay $0x1  }
0x121: {  	v5 =	vperm.xlane v5, v4;
	v6 =	vadd.s32 v3, v6;
	_ =	sdelay $0x1  }
0x122: {  	v5 =	vadd.s32 v3, v5;
	_ =	sdelay $0x2  }
0x123: {  	[tilespmem:s18], [sflag:$0x1] =	stream.indirect_vreg.gather [hbm4b:s1+s4], $0x80, v6, vm0, $0xb8;
	[tilespmem:$0x8680] =	vst v63  }
0x124: {  	_ = 	snop  }
0x125: {  	[tilespmem:s19], [sflag:$0x1] =	stream.indirect_vreg.gather [hbm4b:s1+s4], $0x80, v5, vm0, $0xb8;
	[tilespmem:$0x8680] =	vst v63  }
0x126: {  	v5 =	vld [tilespmem:$0x140];
	_ =	sdelay $0x4  }
0x127: {  	v6 =	vshll.u32 v5, $0x1  }
0x128: {  	v5 =	vand.u32 $0x7, v5;
	v6 =	vand.u32 $0xFFFFFFF0, v6  }
0x129: {  	v5 =	vor.u32 v5, v6  }
0x12a: {  	v6 =	vperm.xlane v5, v2;
	_ =	sdelay $0x1  }
0x12b: {  	v5 =	vperm.xlane v5, v4;
	v6 =	vadd.s32 v3, v6;
	_ =	sdelay $0x1  }
0x12c: {  	v5 =	vadd.s32 v3, v5;
	_ =	sdelay $0x2  }
0x12d: {  	[tilespmem:s20], [sflag:$0x1] =	stream.indirect_vreg.gather [hbm4b:s1+s4], $0x80, v6, vm0, $0xb8;
	[tilespmem:$0x8680] =	vst v63  }
0x12e: {  	_ = 	snop  }
0x12f: {  	[tilespmem:s21], [sflag:$0x1] =	stream.indirect_vreg.gather [hbm4b:s1+s4], $0x80, v5, vm0, $0xb8;
	[tilespmem:$0x8680] =	vst v63  }
0x130: {  	v5 =	vld [tilespmem:$0x150];
	_ =	sdelay $0x4  }
0x131: {  	v6 =	vshll.u32 v5, $0x1  }
0x132: {  	v5 =	vand.u32 $0x7, v5;
	v6 =	vand.u32 $0xFFFFFFF0, v6  }
0x133: {  	v5 =	vor.u32 v5, v6  }
0x134: {  	v6 =	vperm.xlane v5, v2;
	_ =	sdelay $0x1  }
0x135: {  	v5 =	vperm.xlane v5, v4;
	v6 =	vadd.s32 v3, v6;
	_ =	sdelay $0x1  }
0x136: {  	v5 =	vadd.s32 v3, v5;
	_ =	sdelay $0x2  }
0x137: {  	[tilespmem:s22], [sflag:$0x1] =	stream.indirect_vreg.gather [hbm4b:s1+s4], $0x80, v6, vm0, $0xb8;
	[tilespmem:$0x8680] =	vst v63  }
0x138: {  	_ = 	snop  }
0x139: {  	[tilespmem:s23], [sflag:$0x1] =	stream.indirect_vreg.gather [hbm4b:s1+s4], $0x80, v5, vm0, $0xb8;
	[tilespmem:$0x8680] =	vst v63  }
0x13a: {  	v5 =	vld [tilespmem:$0x160];
	_ =	sdelay $0x4  }
0x13b: {  	v6 =	vshll.u32 v5, $0x1  }
0x13c: {  	v5 =	vand.u32 $0x7, v5;
	v6 =	vand.u32 $0xFFFFFFF0, v6  }
0x13d: {  	v5 =	vor.u32 v5, v6  }
0x13e: {  	v6 =	vperm.xlane v5, v2;
	_ =	sdelay $0x1  }
0x13f: {  	v5 =	vperm.xlane v5, v4;
	v6 =	vadd.s32 v3, v6;
	_ =	sdelay $0x1  }
0x140: {  	v5 =	vadd.s32 v3, v5;
	_ =	sdelay $0x2  }
0x141: {  	[tilespmem:s24], [sflag:$0x1] =	stream.indirect_vreg.gather [hbm4b:s1+s4], $0x80, v6, vm0, $0xb8;
	[tilespmem:$0x8680] =	vst v63  }
0x142: {  	_ = 	snop  }
0x143: {  	[tilespmem:s25], [sflag:$0x1] =	stream.indirect_vreg.gather [hbm4b:s1+s4], $0x80, v5, vm0, $0xb8;
	[tilespmem:$0x8680] =	vst v63  }
0x144: {  	v5 =	vld [tilespmem:$0x170];
	_ =	sdelay $0x4  }
0x145: {  	v6 =	vshll.u32 v5, $0x1  }
0x146: {  	v5 =	vand.u32 $0x7, v5;
	v6 =	vand.u32 $0xFFFFFFF0, v6  }
0x147: {  	v5 =	vor.u32 v5, v6  }
0x148: {  	v6 =	vperm.xlane v5, v2;
	_ =	sdelay $0x1  }
0x149: {  	v5 =	vperm.xlane v5, v4;
	v6 =	vadd.s32 v3, v6;
	_ =	sdelay $0x1  }
0x14a: {  	v5 =	vadd.s32 v3, v5;
	_ =	sdelay $0x2  }
0x14b: {  	[tilespmem:s26], [sflag:$0x1] =	stream.indirect_vreg.gather [hbm4b:s1+s4], $0x80, v6, vm0, $0xb8;
	[tilespmem:$0x8680] =	vst v63  }
0x14c: {  	_ = 	snop  }
0x14d: {  	[tilespmem:s28], [sflag:$0x1] =	stream.indirect_vreg.gather [hbm4b:s1+s4], $0x80, v5, vm0, $0xb8;
	[tilespmem:$0x8680] =	vst v63  }
0x14e: {  	_ =	swait.ge [sflag:s11], $0x8000  }
0x14f: {  	[sflag:s11] =	ssyncset.done $0x0  }
0x150: {  	[sflag:s11] =	ssyncadd.s32 $0xFFFF8000  }
0x151: {  	[hbm4b:s6+s4] =	stream.linear.scatter [tilespmem:s12], [sflag:$0x1], $0x8000, $0x38;
	[tilespmem:$0x8680] =	vst v63  }
0x152: {  	_ =	swait.ge [sflag:s11], $0x8000  }
0x153: {  	[sflag:s11] =	ssyncset.done $0x0  }
0x154: {  	[sflag:s11] =	ssyncadd.s32 $0xFFFF8000  }
0x155: {  	[spmem:s3] =	stream.indirect.scatter.add.f32 [tilespmem:s30], [sflag:$0x1], $0x1, s31, s29, $0xb8;
	[tilespmem:$0x8680] =	vst v63  }
0x156: {  	_ =	swait.ge [sflag:s11], $0x80  }
0x157: {  	[sflag:s11] =	ssyncset.done $0x0  }
0x158: {  	[sflag:s11] =	ssyncadd.s32 $0xFFFFFF80  }
0x159: {  	v5 =	vld [tilespmem:$0x180];
	_ =	sdelay $0x4  }
0x15a: {  	v6 =	vshll.u32 v5, $0x1  }
0x15b: {  	v5 =	vand.u32 $0x7, v5;
	v6 =	vand.u32 $0xFFFFFFF0, v6  }
0x15c: {  	v5 =	vor.u32 v5, v6  }
0x15d: {  	v6 =	vperm.xlane v5, v2;
	_ =	sdelay $0x1  }
0x15e: {  	v5 =	vperm.xlane v5, v4;
	v6 =	vadd.s32 v3, v6;
	_ =	sdelay $0x1  }
0x15f: {  	v5 =	vadd.s32 v3, v5;
	_ =	sdelay $0x2  }
0x160: {  	[tilespmem:s12], [sflag:$0x1] =	stream.indirect_vreg.gather [hbm4b:s1+s4], $0x80, v6, vm0, $0xb8;
	[tilespmem:$0x8680] =	vst v63  }
0x161: {  	_ = 	snop  }
0x162: {  	[tilespmem:s13], [sflag:$0x1] =	stream.indirect_vreg.gather [hbm4b:s1+s4], $0x80, v5, vm0, $0xb8;
	[tilespmem:$0x8680] =	vst v63  }
0x163: {  	v5 =	vld [tilespmem:$0x190];
	_ =	sdelay $0x4  }
0x164: {  	v6 =	vshll.u32 v5, $0x1  }
0x165: {  	v5 =	vand.u32 $0x7, v5;
	v6 =	vand.u32 $0xFFFFFFF0, v6  }
0x166: {  	v5 =	vor.u32 v5, v6  }
0x167: {  	v6 =	vperm.xlane v5, v2;
	_ =	sdelay $0x1  }
0x168: {  	v5 =	vperm.xlane v5, v4;
	v6 =	vadd.s32 v3, v6;
	_ =	sdelay $0x1  }
0x169: {  	v5 =	vadd.s32 v3, v5;
	_ =	sdelay $0x2  }
0x16a: {  	[tilespmem:s14], [sflag:$0x1] =	stream.indirect_vreg.gather [hbm4b:s1+s4], $0x80, v6, vm0, $0xb8;
	[tilespmem:$0x8680] =	vst v63  }
0x16b: {  	_ = 	snop  }
0x16c: {  	[tilespmem:s15], [sflag:$0x1] =	stream.indirect_vreg.gather [hbm4b:s1+s4], $0x80, v5, vm0, $0xb8;
	[tilespmem:$0x8680] =	vst v63  }
0x16d: {  	v5 =	vld [tilespmem:$0x1A0];
	_ =	sdelay $0x4  }
0x16e: {  	v6 =	vshll.u32 v5, $0x1  }
0x16f: {  	v5 =	vand.u32 $0x7, v5;
	v6 =	vand.u32 $0xFFFFFFF0, v6  }
0x170: {  	v5 =	vor.u32 v5, v6  }
0x171: {  	v6 =	vperm.xlane v5, v2;
	_ =	sdelay $0x1  }
0x172: {  	v5 =	vperm.xlane v5, v4;
	v6 =	vadd.s32 v3, v6;
	_ =	sdelay $0x1  }
0x173: {  	v5 =	vadd.s32 v3, v5;
	_ =	sdelay $0x2  }
0x174: {  	[tilespmem:s16], [sflag:$0x1] =	stream.indirect_vreg.gather [hbm4b:s1+s4], $0x80, v6, vm0, $0xb8;
	[tilespmem:$0x8680] =	vst v63  }
0x175: {  	_ = 	snop  }
0x176: {  	[tilespmem:s17], [sflag:$0x1] =	stream.indirect_vreg.gather [hbm4b:s1+s4], $0x80, v5, vm0, $0xb8;
	[tilespmem:$0x8680] =	vst v63  }
0x177: {  	v5 =	vld [tilespmem:$0x1B0];
	_ =	sdelay $0x4  }
0x178: {  	v6 =	vshll.u32 v5, $0x1  }
0x179: {  	v5 =	vand.u32 $0x7, v5;
	v6 =	vand.u32 $0xFFFFFFF0, v6  }
0x17a: {  	v5 =	vor.u32 v5, v6  }
0x17b: {  	v6 =	vperm.xlane v5, v2;
	_ =	sdelay $0x1  }
0x17c: {  	v5 =	vperm.xlane v5, v4;
	v6 =	vadd.s32 v3, v6;
	_ =	sdelay $0x1  }
0x17d: {  	v5 =	vadd.s32 v3, v5;
	_ =	sdelay $0x2  }
0x17e: {  	[tilespmem:s18], [sflag:$0x1] =	stream.indirect_vreg.gather [hbm4b:s1+s4], $0x80, v6, vm0, $0xb8;
	[tilespmem:$0x8680] =	vst v63  }
0x17f: {  	_ = 	snop  }
0x180: {  	[tilespmem:s19], [sflag:$0x1] =	stream.indirect_vreg.gather [hbm4b:s1+s4], $0x80, v5, vm0, $0xb8;
	[tilespmem:$0x8680] =	vst v63  }
0x181: {  	v5 =	vld [tilespmem:$0x1C0];
	_ =	sdelay $0x4  }
0x182: {  	v6 =	vshll.u32 v5, $0x1  }
0x183: {  	v5 =	vand.u32 $0x7, v5;
	v6 =	vand.u32 $0xFFFFFFF0, v6  }
0x184: {  	v5 =	vor.u32 v5, v6  }
0x185: {  	v6 =	vperm.xlane v5, v2;
	_ =	sdelay $0x1  }
0x186: {  	v5 =	vperm.xlane v5, v4;
	v6 =	vadd.s32 v3, v6;
	_ =	sdelay $0x1  }
0x187: {  	v5 =	vadd.s32 v3, v5;
	_ =	sdelay $0x2  }
0x188: {  	[tilespmem:s20], [sflag:$0x1] =	stream.indirect_vreg.gather [hbm4b:s1+s4], $0x80, v6, vm0, $0xb8;
	[tilespmem:$0x8680] =	vst v63  }
0x189: {  	_ = 	snop  }
0x18a: {  	[tilespmem:s21], [sflag:$0x1] =	stream.indirect_vreg.gather [hbm4b:s1+s4], $0x80, v5, vm0, $0xb8;
	[tilespmem:$0x8680] =	vst v63  }
0x18b: {  	v5 =	vld [tilespmem:$0x1D0];
	_ =	sdelay $0x4  }
0x18c: {  	v6 =	vshll.u32 v5, $0x1  }
0x18d: {  	v5 =	vand.u32 $0x7, v5;
	v6 =	vand.u32 $0xFFFFFFF0, v6  }
0x18e: {  	v5 =	vor.u32 v5, v6  }
0x18f: {  	v6 =	vperm.xlane v5, v2;
	_ =	sdelay $0x1  }
0x190: {  	v5 =	vperm.xlane v5, v4;
	v6 =	vadd.s32 v3, v6;
	_ =	sdelay $0x1  }
0x191: {  	v5 =	vadd.s32 v3, v5;
	_ =	sdelay $0x2  }
0x192: {  	[tilespmem:s22], [sflag:$0x1] =	stream.indirect_vreg.gather [hbm4b:s1+s4], $0x80, v6, vm0, $0xb8;
	[tilespmem:$0x8680] =	vst v63  }
0x193: {  	_ = 	snop  }
0x194: {  	[tilespmem:s23], [sflag:$0x1] =	stream.indirect_vreg.gather [hbm4b:s1+s4], $0x80, v5, vm0, $0xb8;
	[tilespmem:$0x8680] =	vst v63  }
0x195: {  	v5 =	vld [tilespmem:$0x1E0];
	_ =	sdelay $0x4  }
0x196: {  	v6 =	vshll.u32 v5, $0x1  }
0x197: {  	v5 =	vand.u32 $0x7, v5;
	v6 =	vand.u32 $0xFFFFFFF0, v6  }
0x198: {  	v5 =	vor.u32 v5, v6  }
0x199: {  	v6 =	vperm.xlane v5, v2;
	_ =	sdelay $0x1  }
0x19a: {  	v5 =	vperm.xlane v5, v4;
	v6 =	vadd.s32 v3, v6;
	_ =	sdelay $0x1  }
0x19b: {  	v5 =	vadd.s32 v3, v5;
	_ =	sdelay $0x2  }
0x19c: {  	[tilespmem:s24], [sflag:$0x1] =	stream.indirect_vreg.gather [hbm4b:s1+s4], $0x80, v6, vm0, $0xb8;
	[tilespmem:$0x8680] =	vst v63  }
0x19d: {  	_ = 	snop  }
0x19e: {  	[tilespmem:s25], [sflag:$0x1] =	stream.indirect_vreg.gather [hbm4b:s1+s4], $0x80, v5, vm0, $0xb8;
	[tilespmem:$0x8680] =	vst v63  }
0x19f: {  	v5 =	vld [tilespmem:$0x1F0];
	_ =	sdelay $0x4  }
0x1a0: {  	v6 =	vshll.u32 v5, $0x1  }
0x1a1: {  	v5 =	vand.u32 $0x7, v5;
	v6 =	vand.u32 $0xFFFFFFF0, v6  }
0x1a2: {  	v5 =	vor.u32 v5, v6  }
0x1a3: {  	v6 =	vperm.xlane v5, v2;
	_ =	sdelay $0x1  }
0x1a4: {  	v5 =	vperm.xlane v5, v4;
	v6 =	vadd.s32 v3, v6;
	_ =	sdelay $0x1  }
0x1a5: {  	v5 =	vadd.s32 v3, v5;
	_ =	sdelay $0x2  }
0x1a6: {  	[tilespmem:s26], [sflag:$0x1] =	stream.indirect_vreg.gather [hbm4b:s1+s4], $0x80, v6, vm0, $0xb8;
	[tilespmem:$0x8680] =	vst v63  }
0x1a7: {  	_ = 	snop  }
0x1a8: {  	[tilespmem:s28], [sflag:$0x1] =	stream.indirect_vreg.gather [hbm4b:s1+s4], $0x80, v5, vm0, $0xb8;
	[tilespmem:$0x8680] =	vst v63  }
0x1a9: {  	_ =	swait.ge [sflag:s11], $0x8000  }
0x1aa: {  	[sflag:s11] =	ssyncset.done $0x0  }
0x1ab: {  	[sflag:s11] =	ssyncadd.s32 $0xFFFF8000  }
0x1ac: {  	[hbm4b:s7+s4] =	stream.linear.scatter [tilespmem:s12], [sflag:$0x1], $0x8000, $0x38;
	[tilespmem:$0x8680] =	vst v63  }
0x1ad: {  	_ =	swait.ge [sflag:s11], $0x8000  }
0x1ae: {  	[sflag:s11] =	ssyncset.done $0x0  }
0x1af: {  	[sflag:s11] =	ssyncadd.s32 $0xFFFF8000  }
0x1b0: {  	[spmem:s3] =	stream.indirect.scatter.add.f32 [tilespmem:s30], [sflag:$0x1], $0x1, s0, s29, $0xb8;
	[tilespmem:$0x8680] =	vst v63  }
0x1b1: {  	_ =	swait.ge [sflag:s11], $0x80  }
0x1b2: {  	[sflag:s11] =	ssyncset.done $0x0  }
0x1b3: {  	[sflag:s11] =	ssyncadd.s32 $0xFFFFFF80  }
0x1b4: {  	[bflag:$0x0] =	sbarrier.arrive $0xFFFF  }
0x1b5: {  	[tilespmem:s10], [sflag:$0x1] =	stream.linear.gather [spmem:s5], $0x200, $0x38;
	[tilespmem:$0x8680] =	vst v63  }
0x1b6: {  	_ =	swait.ge [sflag:s11], $0x200  }
0x1b7: {  	p0 =	sne.s32 s9, $0x1;
	[sflag:s11] =	ssyncset.done $0x0  }
.Ltmp0:
0x1b8: {  	[sflag:s11] =	ssyncadd.s32 $0xFFFFFE00;
	(pc) =	sbr.rel @p0 .LBB2_1-.Ltmp0, $4  }
0x1b9: {  	[hbm4b:s8+s29] =	stream.strided.scatter [tilespmem:s10], [sflag:$0x1], $0x200, s31, s29, $0x38;
	[tilespmem:$0x8680] =	vst v63  }
0x1ba: {  	_ =	swait.ge [sflag:s11], $0x200  }
0x1bb: {  	[sflag:s11] =	ssyncset.done $0x0  }
0x1bc: {  	s9 =	sadd.s32 $0xFFFFFFFF, s9;
	[sflag:s11] =	ssyncadd.s32 $0xFFFFFE00  }
0x1bd: {  	_ =	sfence.sel $0x180000  }
0x1be: {  	[bflag:$0x0] =	sbarrier.arrive $0xFFFF  }
0x1bf: {  	_ =	strace $0x90000047  }
0x1c0: {  	s0 =	stileid.u32;
	[bflag:$0x2] =	sbarrier.arrive $0xFFFF  }
0x1c1: {  	p0 =	sne.s32 s0, $0x0;
	s0 =	rddreg [dreg:$0x5]  }
0x1c2: {  	s0 =	sadd.s32 @!p0 $0x100000, s0  }
0x1c3: {  	[sflag:s0] =	ssyncadd.tile.s32 @!p0 $0x1;
	_ =	shalt  }
.Lfunc_end2:
_tile_overlayer_lowered:
.L_overlay_start_2:
0x1c4: {  	(tag) =	ssettag $0x2  }
0x1c5: {  	s0 =	rddreg [dreg:$0x0];
	s2 =	stileid.u32  }
0x1c6: {  	s1 =	rddreg [dreg:$0x1];
	p0 =	sne.s32 s2, $0x0  }
0x1c7: {  	s3 =	rddreg [dreg:$0x2];
	[bflag:$0x3] =	sbarrier.arrive $0xFFFF;
	s2 =	simm.s32 @!p0 $0x1C01  }
0x1c8: {  	[timem:s3], [sflag:s2] =	dma.local @!p0 [hbm:s0], s1  }
0x1c9: {  	s0 =	simm.s32 @!p0 $0x1  }
0x1ca: {  	_ =	swait.ge @!p0 [sflag:s0], s1  }
0x1cb: {  	s1 =	ssub.s32 @!p0 $0x0, s1;
	[sflag:s0] =	ssyncset.done @!p0 $0x0  }
0x1cc: {  	[sflag:s0] =	ssyncadd.s32 @!p0 s1  }
0x1cd: {  	[bflag:$0x3] =	sbarrier.arrive $0xFFFF  }
0x1ce: {  	_ =	shalt  }

</sc_bundles>
